<compile_context>
chip_gen: v7x
topology: tpu7x:2x2x1
jax: 0.10.2.dev20260603
libtpu: 0.0.44.dev20260713+nightly
codegen_flags: <defaults>
</compile_context>

<pallas_src>
import functools

import jax
import jax.numpy as jnp
from jax import lax
from jax.experimental import pallas as pl
from jax.experimental.pallas import tpu as pltpu
from jax.experimental.pallas import tpu_sc as plsc

N_NODES = 10000
DIM = 128
N_EDGES = 320000

K = 128
NC, NS = 2, 16
NW = NC * NS
NB = 80
NBLK = NB * NW
E_PAD = NBLK * K
ROWS_PAD = 10112
ZB = ROWS_PAD // NS
MMB = 10000


def _mm_kernel(x_ref, wt_ref, b_ref, o_ref):
    o_ref[...] = (
        jnp.dot(x_ref[...], wt_ref[...], preferred_element_type=jnp.float32)
        + b_ref[...]
    )


def _msg_matmul(x, wt, b):
    return pl.pallas_call(
        _mm_kernel,
        grid=(N_NODES // MMB,),
        in_specs=[
            pl.BlockSpec((MMB, DIM), lambda i: (i, 0)),
            pl.BlockSpec((DIM, DIM), lambda i: (0, 0)),
            pl.BlockSpec((1, DIM), lambda i: (0, 0)),
        ],
        out_specs=pl.BlockSpec((MMB, DIM), lambda i: (i, 0)),
        out_shape=jax.ShapeDtypeStruct((N_NODES, DIM), jnp.float32),
    )(x, wt, b.reshape(1, DIM))


def _final_kernel(s_ref, x_ref, p0_ref, p1_ref, wt_ref, b_ref, o_ref):
    t = x_ref[...] * s_ref[0, 0] + p0_ref[...] + p1_ref[...]
    y = (
        jnp.dot(t, wt_ref[...], preferred_element_type=jnp.float32)
        + b_ref[...]
    )
    o_ref[...] = jnp.maximum(y, 0.0)


def _final(s, x, p0, p1, wt, b):
    return pl.pallas_call(
        _final_kernel,
        grid=(N_NODES // MMB,),
        in_specs=[
            pl.BlockSpec(memory_space=pltpu.SMEM),
            pl.BlockSpec((MMB, DIM), lambda i: (i, 0)),
            pl.BlockSpec((MMB, DIM), lambda i: (i, 0)),
            pl.BlockSpec((MMB, DIM), lambda i: (i, 0)),
            pl.BlockSpec((DIM, DIM), lambda i: (0, 0)),
            pl.BlockSpec((1, DIM), lambda i: (0, 0)),
        ],
        out_specs=pl.BlockSpec((MMB, DIM), lambda i: (i, 0)),
        out_shape=jax.ShapeDtypeStruct((N_NODES, DIM), jnp.float32),
    )(s, x, p0, p1, wt, b.reshape(1, DIM))


def _sc_scatter(msg, pk, zeros):
    mesh = plsc.VectorSubcoreMesh(core_axis_name="c", subcore_axis_name="s")

    NSPLIT = 2
    NBUF = 2 * NSPLIT
    H = K // NSPLIT

    @functools.partial(
        pl.kernel,
        out_type=(jax.ShapeDtypeStruct((ROWS_PAD, DIM), jnp.float32),
                  jax.ShapeDtypeStruct((ROWS_PAD, DIM), jnp.float32)),
        mesh=mesh,
        scratch_types=(
            [pltpu.VMEM_SHARED((ROWS_PAD, DIM), jnp.float32),
             pltpu.VMEM((NB, K), jnp.int32)]
            + [pltpu.VMEM((H,), jnp.int32) for _ in range(2 * NBUF)]
            + [pltpu.VMEM((H, DIM), jnp.float32) for _ in range(NBUF)]
            + [pltpu.SemaphoreType.DMA for _ in range(NBUF + 1)]
        ),
    )
    def k(msg_hbm, pk_hbm, z_hbm, out0_hbm, out1_hbm, acc, pk_all, *rest):
        ds = rest[0:NBUF]
        ss = rest[NBUF:2 * NBUF]
        rr = rest[2 * NBUF:3 * NBUF]
        gg = rest[3 * NBUF:4 * NBUF]
        zs = rest[4 * NBUF]
        cid = lax.axis_index("c")
        sid = lax.axis_index("s")

        def unpack(row, q, dbuf, sbuf):
            for c in range(0, H, 16):
                v = pk_all[row, pl.ds(q * H + c, 16)]
                dbuf[pl.ds(c, 16)] = v & 0xFFFF
                sbuf[pl.ds(c, 16)] = v >> 16

        wid = cid * NS + sid

        pltpu.async_copy(z_hbm.at[pl.ds(sid * ZB, ZB)],
                         acc.at[pl.ds(sid * ZB, ZB)], zs)
        pltpu.sync_copy(pk_hbm.at[wid], pk_all)
        for b in range(NBUF):
            unpack(b // NSPLIT, b % NSPLIT, ds[b], ss[b])
            pltpu.async_copy(msg_hbm.at[ds[b]], rr[b], gg[b])
        pltpu.make_async_copy(z_hbm.at[pl.ds(sid * ZB, ZB)],
                              acc.at[pl.ds(sid * ZB, ZB)], zs).wait()
        plsc.subcore_barrier()

        @pl.loop(0, NB, step=2)
        def _(j):
            for b in range(NBUF):
                pltpu.make_async_copy(msg_hbm.at[ds[b]], rr[b], gg[b]).wait()
                pltpu.sync_copy(rr[b], acc.at[ss[b]], add=True)

                @pl.when(j + 2 + b // NSPLIT < NB)
                def _(b=b):
                    unpack(j + 2 + b // NSPLIT, b % NSPLIT, ds[b], ss[b])
                    pltpu.async_copy(msg_hbm.at[ds[b]], rr[b], gg[b])

        plsc.subcore_barrier()

        @pl.when(cid == 0)
        def _():
            pltpu.sync_copy(acc.at[pl.ds(sid * ZB, ZB)],
                            out0_hbm.at[pl.ds(sid * ZB, ZB)])

        @pl.when(cid == 1)
        def _():
            pltpu.sync_copy(acc.at[pl.ds(sid * ZB, ZB)],
                            out1_hbm.at[pl.ds(sid * ZB, ZB)])

    return k(msg, pk, zeros)


def kernel(X, edge_index, eps, W_msg, b_msg, W_lin, b_lin):
    src = edge_index[0]
    dst = edge_index[1]
    pad = E_PAD - N_EDGES
    ar = jnp.arange(pad, dtype=jnp.int32)
    src_p = jnp.concatenate([src, N_NODES + ar % (ROWS_PAD - N_NODES)])
    dst_p = jnp.concatenate([dst, ar % 8192])
    pk = ((src_p << 16) | dst_p).reshape(NW, NB, K)
    zeros = jnp.zeros((ROWS_PAD, DIM), jnp.float32)

    msg = _msg_matmul(X, W_msg.T, b_msg)
    p0, p1 = _sc_scatter(msg, pk, zeros)
    s = jnp.reshape(1.0 + eps, (1, 1)).astype(jnp.float32)
    return _final(s, X, p0, p1, W_lin.T, b_lin)

# --- scband reference (transcript-rebuilt; emitter-appended) ---
"""Pipeline reference for scband-local-mpnn-88493506166790 (READ-ONLY COPY).

The authoritative reference and input builder live on the scoring server;
editing this copy changes nothing except your own understanding.
"""

import jax, jax.numpy as jnp
import numpy as np

N_NODES = 10000
N_EDGES = 320000
DIM = 128

def setup_inputs(seed: int = 0) -> dict:
    key = jax.random.key(seed)
    ks = jax.random.split(key, 8)
    X = jax.random.normal(ks[0], (N_NODES, DIM), dtype=jnp.float32)
    edge_index = jax.random.randint(ks[1], (2, N_EDGES), 0, N_NODES, dtype=jnp.int32)
    # learned parameters (nn.Linear: y = x @ W.T + b)
    eps = jnp.asarray(0.0, dtype=jnp.float32)
    W_msg = jax.random.normal(ks[2], (DIM, DIM), dtype=jnp.float32) * (1.0 / np.sqrt(DIM))
    b_msg = jax.random.normal(ks[3], (DIM,), dtype=jnp.float32) * 0.01
    W_lin = jax.random.normal(ks[4], (DIM, DIM), dtype=jnp.float32) * (1.0 / np.sqrt(DIM))
    b_lin = jax.random.normal(ks[5], (DIM,), dtype=jnp.float32) * 0.01
    return {"X": X, "edge_index": edge_index, "eps": eps, "W_msg": W_msg, "b_msg": b_msg, "W_lin": W_lin, "b_lin": b_lin}

def reference(X, edge_index, eps, W_msg, b_msg, W_lin, b_lin):
    src = edge_index[0]
    dst = edge_index[1]
    # msg = self.msg_lin(X)[dst]
    msg_all = X @ W_msg.T + b_msg
    msg = jnp.take(msg_all, dst, axis=0)
    # agg.index_add_(0, src, msg)  -> scatter-add over src
    agg = jax.ops.segment_sum(msg, src, num_segments=X.shape[0])
    out = (1.0 + eps) * X + agg
    out = out @ W_lin.T + b_lin
    return jax.nn.relu(out)

if __name__ == "__main__":
    import jax
    _d = setup_inputs()
    print(jax.jit(kernel)(*tuple(_d.values())))

</pallas_src>

<mosaic_0001>
#map = affine_map<(d0, d1) -> (0, 0)>
#map1 = affine_map<(d0, d1) -> (0, 0, 0)>
module attributes {stable_mosaic.version = 14 : i64} {
  func.func @k(%arg0: i32, %arg1: i32, %arg2: memref<10000x128xf32, #tpu.memory_space<hbm>>, %arg3: memref<32x80x128xi32, #tpu.memory_space<hbm>>, %arg4: memref<10112x128xf32, #tpu.memory_space<hbm>>, %arg5: memref<10112x128xf32, #tpu.memory_space<hbm>>, %arg6: memref<10112x128xf32, #tpu.memory_space<hbm>>, %arg7: memref<10112x128xf32, #tpu.memory_space<vmem_shared>>, %arg8: memref<80x128xi32, #tpu.memory_space<vmem>>, %arg9: memref<64xi32, #tpu.memory_space<vmem>>, %arg10: memref<64xi32, #tpu.memory_space<vmem>>, %arg11: memref<64xi32, #tpu.memory_space<vmem>>, %arg12: memref<64xi32, #tpu.memory_space<vmem>>, %arg13: memref<64xi32, #tpu.memory_space<vmem>>, %arg14: memref<64xi32, #tpu.memory_space<vmem>>, %arg15: memref<64xi32, #tpu.memory_space<vmem>>, %arg16: memref<64xi32, #tpu.memory_space<vmem>>, %arg17: memref<64x128xf32, #tpu.memory_space<vmem>>, %arg18: memref<64x128xf32, #tpu.memory_space<vmem>>, %arg19: memref<64x128xf32, #tpu.memory_space<vmem>>, %arg20: memref<64x128xf32, #tpu.memory_space<vmem>>, %arg21: memref<!tpu.dma_semaphore, #tpu.memory_space<semaphore_mem>>, %arg22: memref<!tpu.dma_semaphore, #tpu.memory_space<semaphore_mem>>, %arg23: memref<!tpu.dma_semaphore, #tpu.memory_space<semaphore_mem>>, %arg24: memref<!tpu.dma_semaphore, #tpu.memory_space<semaphore_mem>>, %arg25: memref<!tpu.dma_semaphore, #tpu.memory_space<semaphore_mem>>) attributes {dimension_semantics = [#tpu.dimension_semantics<core_parallel>, #tpu.dimension_semantics<subcore_parallel>], iteration_bounds = array<i64: 2, 16>, scalar_prefetch = 0 : i64, scratch_operands = 19 : i64, tpu.core_type = #tpu.core_type<sc_vector_subcore>, window_params = [{transform_indices = #map}, {transform_indices = #map1}, {transform_indices = #map}, {transform_indices = #map}, {transform_indices = #map}]} {
    %mul3A = arith.constant 16 : i32
    %mul3A_0 = arith.muli %arg0, %mul3A : i32
    %add3A = arith.addi %mul3A_0, %arg1 : i32
    %mul3A_1 = arith.constant 632 : i32
    %mul3A_2 = arith.muli %arg1, %mul3A_1 : i32
    %mul3A_3 = arith.constant 632 : i32
    %mul3A_4 = arith.muli %arg1, %mul3A_3 : i32
    %dma_start3A = arith.constant 0 : i32
    %dma_start3A_5 = tpu.memref_slice %arg7[%mul3A_4, %dma_start3A] : memref<10112x128xf32, #tpu.memory_space<vmem_shared>> -> memref<632x128xf32, #tpu.memory_space<vmem_shared>>
    %dma_start3A_6 = arith.constant 0 : i32
    %dma_start3A_7 = tpu.memref_slice %arg4[%mul3A_2, %dma_start3A_6] : memref<10112x128xf32, #tpu.memory_space<hbm>> -> memref<632x128xf32, #tpu.memory_space<hbm>>
    tpu.enqueue_dma source(%dma_start3A_7 : memref<632x128xf32, #tpu.memory_space<hbm>>) target(%dma_start3A_5 : memref<632x128xf32, #tpu.memory_space<vmem_shared>>) target_semaphore(%arg25 : memref<!tpu.dma_semaphore, #tpu.memory_space<semaphore_mem>>)
    "tpu.region"() ({
      %run_scoped3A = tpu.sem_alloc : memref<!tpu.dma_semaphore, #tpu.memory_space<semaphore_mem>>
      %dma_start3A_339 = arith.constant 0 : i32
      %dma_start3A_340 = arith.constant 0 : i32
      %dma_start3A_341 = tpu.memref_slice %arg3[%add3A, %dma_start3A_339, %dma_start3A_340] : memref<32x80x128xi32, #tpu.memory_space<hbm>> -> memref<1x80x128xi32, #tpu.memory_space<hbm>>
      %dma_start3A_342 = tpu.memref_squeeze %dma_start3A_341 : memref<1x80x128xi32, #tpu.memory_space<hbm>> -> memref<80x128xi32, #tpu.memory_space<hbm>>
      %dma_start3A_343 = arith.constant 0 : i32
      %dma_start3A_344 = arith.constant 0 : i32
      %dma_start3A_345 = tpu.memref_slice %arg3[%add3A, %dma_start3A_343, %dma_start3A_344] : memref<32x80x128xi32, #tpu.memory_space<hbm>> -> memref<1x80x128xi32, #tpu.memory_space<hbm>>
      %dma_start3A_346 = tpu.memref_squeeze %dma_start3A_345 : memref<1x80x128xi32, #tpu.memory_space<hbm>> -> memref<80x128xi32, #tpu.memory_space<hbm>>
      tpu.enqueue_dma source(%dma_start3A_346 : memref<80x128xi32, #tpu.memory_space<hbm>>) target(%arg8 : memref<80x128xi32, #tpu.memory_space<vmem>>) target_semaphore(%run_scoped3A : memref<!tpu.dma_semaphore, #tpu.memory_space<semaphore_mem>>)
      %dma_wait3A_347 = arith.constant 0 : i32
      %dma_wait3A_348 = arith.constant 0 : i32
      %dma_wait3A_349 = tpu.memref_slice %arg3[%add3A, %dma_wait3A_347, %dma_wait3A_348] : memref<32x80x128xi32, #tpu.memory_space<hbm>> -> memref<1x80x128xi32, #tpu.memory_space<hbm>>
      %dma_wait3A_350 = tpu.memref_squeeze %dma_wait3A_349 : memref<1x80x128xi32, #tpu.memory_space<hbm>> -> memref<80x128xi32, #tpu.memory_space<hbm>>
      %dma_wait3A_351 = arith.constant 0 : i32
      %dma_wait3A_352 = arith.constant 0 : i32
      %dma_wait3A_353 = tpu.memref_slice %arg3[%add3A, %dma_wait3A_351, %dma_wait3A_352] : memref<32x80x128xi32, #tpu.memory_space<hbm>> -> memref<1x80x128xi32, #tpu.memory_space<hbm>>
      %dma_wait3A_354 = tpu.memref_squeeze %dma_wait3A_353 : memref<1x80x128xi32, #tpu.memory_space<hbm>> -> memref<80x128xi32, #tpu.memory_space<hbm>>
      tpu.wait_dma2 semaphore(%run_scoped3A : memref<!tpu.dma_semaphore, #tpu.memory_space<semaphore_mem>>) src(%dma_wait3A_354 : memref<80x128xi32, #tpu.memory_space<hbm>>) dst(%arg8 : memref<80x128xi32, #tpu.memory_space<vmem>>)
      tpu.yield
    }) : () -> ()
    %get3A = arith.constant 0 : i32
    %get3A_8 = arith.index_cast %get3A : i32 to index
    %get3A_9 = arith.constant 0 : index
    %get3A_10 = tpu.vector_load %arg8[%get3A_8, %get3A_9] {strides = array<i32>} : memref<80x128xi32, #tpu.memory_space<vmem>>, vector<1x16xi32>,
    %get3A_11 = vector.shape_cast %get3A_10 : vector<1x16xi32> to vector<16xi32>
    %and3A = arith.constant 65535 : i32
    %and3A_12 = vector.broadcast %and3A : i32 to vector<16xi32>
    %and3A_13 = arith.andi %get3A_11, %and3A_12 : vector<16xi32>
    %swap3A = arith.constant 0 : index
    %swap3A_14 = tpu.vector_load %arg9[%swap3A] {strides = array<i32>} : memref<64xi32, #tpu.memory_space<vmem>>, vector<16xi32>,
    %swap3A_15 = vector.shape_cast %swap3A_14 : vector<16xi32> to vector<16xi32>
    %swap3A_16 = vector.shape_cast %and3A_13 : vector<16xi32> to vector<16xi32>
    tpu.vector_store %arg9[%swap3A], %swap3A_16 {strides = array<i32>} : memref<64xi32, #tpu.memory_space<vmem>>, vector<16xi32>,
    %shift_right_arithmetic3A = arith.constant 16 : i32
    %shift_right_arithmetic3A_17 = vector.broadcast %shift_right_arithmetic3A : i32 to vector<16xi32>
    %shift_right_arithmetic3A_18 = arith.shrsi %get3A_11, %shift_right_arithmetic3A_17 : vector<16xi32>
    %swap3A_19 = arith.constant 0 : index
    %swap3A_20 = tpu.vector_load %arg13[%swap3A_19] {strides = array<i32>} : memref<64xi32, #tpu.memory_space<vmem>>, vector<16xi32>,
    %swap3A_21 = vector.shape_cast %swap3A_20 : vector<16xi32> to vector<16xi32>
    %swap3A_22 = vector.shape_cast %shift_right_arithmetic3A_18 : vector<16xi32> to vector<16xi32>
    tpu.vector_store %arg13[%swap3A_19], %swap3A_22 {strides = array<i32>} : memref<64xi32, #tpu.memory_space<vmem>>, vector<16xi32>,
    %get3A_23 = arith.constant 0 : i32
    %get3A_24 = arith.index_cast %get3A_23 : i32 to index
    %get3A_25 = arith.constant 16 : index
    %get3A_26 = tpu.vector_load %arg8[%get3A_24, %get3A_25] {strides = array<i32>} : memref<80x128xi32, #tpu.memory_space<vmem>>, vector<1x16xi32>,
    %get3A_27 = vector.shape_cast %get3A_26 : vector<1x16xi32> to vector<16xi32>
    %and3A_28 = arith.constant 65535 : i32
    %and3A_29 = vector.broadcast %and3A_28 : i32 to vector<16xi32>
    %and3A_30 = arith.andi %get3A_27, %and3A_29 : vector<16xi32>
    %swap3A_31 = arith.constant 16 : index
    %swap3A_32 = tpu.vector_load %arg9[%swap3A_31] {strides = array<i32>} : memref<64xi32, #tpu.memory_space<vmem>>, vector<16xi32>,
    %swap3A_33 = vector.shape_cast %swap3A_32 : vector<16xi32> to vector<16xi32>
    %swap3A_34 = vector.shape_cast %and3A_30 : vector<16xi32> to vector<16xi32>
    tpu.vector_store %arg9[%swap3A_31], %swap3A_34 {strides = array<i32>} : memref<64xi32, #tpu.memory_space<vmem>>, vector<16xi32>,
    %shift_right_arithmetic3A_35 = arith.constant 16 : i32
    %shift_right_arithmetic3A_36 = vector.broadcast %shift_right_arithmetic3A_35 : i32 to vector<16xi32>
    %shift_right_arithmetic3A_37 = arith.shrsi %get3A_27, %shift_right_arithmetic3A_36 : vector<16xi32>
    %swap3A_38 = arith.constant 16 : index
    %swap3A_39 = tpu.vector_load %arg13[%swap3A_38] {strides = array<i32>} : memref<64xi32, #tpu.memory_space<vmem>>, vector<16xi32>,
    %swap3A_40 = vector.shape_cast %swap3A_39 : vector<16xi32> to vector<16xi32>
    %swap3A_41 = vector.shape_cast %shift_right_arithmetic3A_37 : vector<16xi32> to vector<16xi32>
    tpu.vector_store %arg13[%swap3A_38], %swap3A_41 {strides = array<i32>} : memref<64xi32, #tpu.memory_space<vmem>>, vector<16xi32>,
    %get3A_42 = arith.constant 0 : i32
    %get3A_43 = arith.index_cast %get3A_42 : i32 to index
    %get3A_44 = arith.constant 32 : index
    %get3A_45 = tpu.vector_load %arg8[%get3A_43, %get3A_44] {strides = array<i32>} : memref<80x128xi32, #tpu.memory_space<vmem>>, vector<1x16xi32>,
    %get3A_46 = vector.shape_cast %get3A_45 : vector<1x16xi32> to vector<16xi32>
    %and3A_47 = arith.constant 65535 : i32
    %and3A_48 = vector.broadcast %and3A_47 : i32 to vector<16xi32>
    %and3A_49 = arith.andi %get3A_46, %and3A_48 : vector<16xi32>
    %swap3A_50 = arith.constant 32 : index
    %swap3A_51 = tpu.vector_load %arg9[%swap3A_50] {strides = array<i32>} : memref<64xi32, #tpu.memory_space<vmem>>, vector<16xi32>,
    %swap3A_52 = vector.shape_cast %swap3A_51 : vector<16xi32> to vector<16xi32>
    %swap3A_53 = vector.shape_cast %and3A_49 : vector<16xi32> to vector<16xi32>
    tpu.vector_store %arg9[%swap3A_50], %swap3A_53 {strides = array<i32>} : memref<64xi32, #tpu.memory_space<vmem>>, vector<16xi32>,
    %shift_right_arithmetic3A_54 = arith.constant 16 : i32
    %shift_right_arithmetic3A_55 = vector.broadcast %shift_right_arithmetic3A_54 : i32 to vector<16xi32>
    %shift_right_arithmetic3A_56 = arith.shrsi %get3A_46, %shift_right_arithmetic3A_55 : vector<16xi32>
    %swap3A_57 = arith.constant 32 : index
    %swap3A_58 = tpu.vector_load %arg13[%swap3A_57] {strides = array<i32>} : memref<64xi32, #tpu.memory_space<vmem>>, vector<16xi32>,
    %swap3A_59 = vector.shape_cast %swap3A_58 : vector<16xi32> to vector<16xi32>
    %swap3A_60 = vector.shape_cast %shift_right_arithmetic3A_56 : vector<16xi32> to vector<16xi32>
    tpu.vector_store %arg13[%swap3A_57], %swap3A_60 {strides = array<i32>} : memref<64xi32, #tpu.memory_space<vmem>>, vector<16xi32>,
    %get3A_61 = arith.constant 0 : i32
    %get3A_62 = arith.index_cast %get3A_61 : i32 to index
    %get3A_63 = arith.constant 48 : index
    %get3A_64 = tpu.vector_load %arg8[%get3A_62, %get3A_63] {strides = array<i32>} : memref<80x128xi32, #tpu.memory_space<vmem>>, vector<1x16xi32>,
    %get3A_65 = vector.shape_cast %get3A_64 : vector<1x16xi32> to vector<16xi32>
    %and3A_66 = arith.constant 65535 : i32
    %and3A_67 = vector.broadcast %and3A_66 : i32 to vector<16xi32>
    %and3A_68 = arith.andi %get3A_65, %and3A_67 : vector<16xi32>
    %swap3A_69 = arith.constant 48 : index
    %swap3A_70 = tpu.vector_load %arg9[%swap3A_69] {strides = array<i32>} : memref<64xi32, #tpu.memory_space<vmem>>, vector<16xi32>,
    %swap3A_71 = vector.shape_cast %swap3A_70 : vector<16xi32> to vector<16xi32>
    %swap3A_72 = vector.shape_cast %and3A_68 : vector<16xi32> to vector<16xi32>
    tpu.vector_store %arg9[%swap3A_69], %swap3A_72 {strides = array<i32>} : memref<64xi32, #tpu.memory_space<vmem>>, vector<16xi32>,
    %shift_right_arithmetic3A_73 = arith.constant 16 : i32
    %shift_right_arithmetic3A_74 = vector.broadcast %shift_right_arithmetic3A_73 : i32 to vector<16xi32>
    %shift_right_arithmetic3A_75 = arith.shrsi %get3A_65, %shift_right_arithmetic3A_74 : vector<16xi32>
    %swap3A_76 = arith.constant 48 : index
    %swap3A_77 = tpu.vector_load %arg13[%swap3A_76] {strides = array<i32>} : memref<64xi32, #tpu.memory_space<vmem>>, vector<16xi32>,
    %swap3A_78 = vector.shape_cast %swap3A_77 : vector<16xi32> to vector<16xi32>
    %swap3A_79 = vector.shape_cast %shift_right_arithmetic3A_75 : vector<16xi32> to vector<16xi32>
    tpu.vector_store %arg13[%swap3A_76], %swap3A_79 {strides = array<i32>} : memref<64xi32, #tpu.memory_space<vmem>>, vector<16xi32>,
    %dma_start3A_80 = arith.constant 0 : i32
    %dma_start3A_81 = arith.constant 0 : i32
    %dma_start3A_82 = tpu.memref_slice %arg2[%dma_start3A_80, %dma_start3A_81] : memref<10000x128xf32, #tpu.memory_space<hbm>> -> memref<10000x128xf32, #tpu.memory_space<hbm>>
    tpu.enqueue_indirect_dma source(%dma_start3A_82 : memref<10000x128xf32, #tpu.memory_space<hbm>>) target(%arg17 : memref<64x128xf32, #tpu.memory_space<vmem>>) offsets(%arg9 : memref<64xi32, #tpu.memory_space<vmem>>) semaphore(%arg21 : memref<!tpu.dma_semaphore, #tpu.memory_space<semaphore_mem>>)
    %get3A_83 = arith.constant 0 : i32
    %get3A_84 = arith.index_cast %get3A_83 : i32 to index
    %get3A_85 = arith.constant 64 : index
    %get3A_86 = tpu.vector_load %arg8[%get3A_84, %get3A_85] {strides = array<i32>} : memref<80x128xi32, #tpu.memory_space<vmem>>, vector<1x16xi32>,
    %get3A_87 = vector.shape_cast %get3A_86 : vector<1x16xi32> to vector<16xi32>
    %and3A_88 = arith.constant 65535 : i32
    %and3A_89 = vector.broadcast %and3A_88 : i32 to vector<16xi32>
    %and3A_90 = arith.andi %get3A_87, %and3A_89 : vector<16xi32>
    %swap3A_91 = arith.constant 0 : index
    %swap3A_92 = tpu.vector_load %arg10[%swap3A_91] {strides = array<i32>} : memref<64xi32, #tpu.memory_space<vmem>>, vector<16xi32>,
    %swap3A_93 = vector.shape_cast %swap3A_92 : vector<16xi32> to vector<16xi32>
    %swap3A_94 = vector.shape_cast %and3A_90 : vector<16xi32> to vector<16xi32>
    tpu.vector_store %arg10[%swap3A_91], %swap3A_94 {strides = array<i32>} : memref<64xi32, #tpu.memory_space<vmem>>, vector<16xi32>,
    %shift_right_arithmetic3A_95 = arith.constant 16 : i32
    %shift_right_arithmetic3A_96 = vector.broadcast %shift_right_arithmetic3A_95 : i32 to vector<16xi32>
    %shift_right_arithmetic3A_97 = arith.shrsi %get3A_87, %shift_right_arithmetic3A_96 : vector<16xi32>
    %swap3A_98 = arith.constant 0 : index
    %swap3A_99 = tpu.vector_load %arg14[%swap3A_98] {strides = array<i32>} : memref<64xi32, #tpu.memory_space<vmem>>, vector<16xi32>,
    %swap3A_100 = vector.shape_cast %swap3A_99 : vector<16xi32> to vector<16xi32>
    %swap3A_101 = vector.shape_cast %shift_right_arithmetic3A_97 : vector<16xi32> to vector<16xi32>
    tpu.vector_store %arg14[%swap3A_98], %swap3A_101 {strides = array<i32>} : memref<64xi32, #tpu.memory_space<vmem>>, vector<16xi32>,
    %get3A_102 = arith.constant 0 : i32
    %get3A_103 = arith.index_cast %get3A_102 : i32 to index
    %get3A_104 = arith.constant 80 : index
    %get3A_105 = tpu.vector_load %arg8[%get3A_103, %get3A_104] {strides = array<i32>} : memref<80x128xi32, #tpu.memory_space<vmem>>, vector<1x16xi32>,
    %get3A_106 = vector.shape_cast %get3A_105 : vector<1x16xi32> to vector<16xi32>
    %and3A_107 = arith.constant 65535 : i32
    %and3A_108 = vector.broadcast %and3A_107 : i32 to vector<16xi32>
    %and3A_109 = arith.andi %get3A_106, %and3A_108 : vector<16xi32>
    %swap3A_110 = arith.constant 16 : index
    %swap3A_111 = tpu.vector_load %arg10[%swap3A_110] {strides = array<i32>} : memref<64xi32, #tpu.memory_space<vmem>>, vector<16xi32>,
    %swap3A_112 = vector.shape_cast %swap3A_111 : vector<16xi32> to vector<16xi32>
    %swap3A_113 = vector.shape_cast %and3A_109 : vector<16xi32> to vector<16xi32>
    tpu.vector_store %arg10[%swap3A_110], %swap3A_113 {strides = array<i32>} : memref<64xi32, #tpu.memory_space<vmem>>, vector<16xi32>,
    %shift_right_arithmetic3A_114 = arith.constant 16 : i32
    %shift_right_arithmetic3A_115 = vector.broadcast %shift_right_arithmetic3A_114 : i32 to vector<16xi32>
    %shift_right_arithmetic3A_116 = arith.shrsi %get3A_106, %shift_right_arithmetic3A_115 : vector<16xi32>
    %swap3A_117 = arith.constant 16 : index
    %swap3A_118 = tpu.vector_load %arg14[%swap3A_117] {strides = array<i32>} : memref<64xi32, #tpu.memory_space<vmem>>, vector<16xi32>,
    %swap3A_119 = vector.shape_cast %swap3A_118 : vector<16xi32> to vector<16xi32>
    %swap3A_120 = vector.shape_cast %shift_right_arithmetic3A_116 : vector<16xi32> to vector<16xi32>
    tpu.vector_store %arg14[%swap3A_117], %swap3A_120 {strides = array<i32>} : memref<64xi32, #tpu.memory_space<vmem>>, vector<16xi32>,
    %get3A_121 = arith.constant 0 : i32
    %get3A_122 = arith.index_cast %get3A_121 : i32 to index
    %get3A_123 = arith.constant 96 : index
    %get3A_124 = tpu.vector_load %arg8[%get3A_122, %get3A_123] {strides = array<i32>} : memref<80x128xi32, #tpu.memory_space<vmem>>, vector<1x16xi32>,
    %get3A_125 = vector.shape_cast %get3A_124 : vector<1x16xi32> to vector<16xi32>
    %and3A_126 = arith.constant 65535 : i32
    %and3A_127 = vector.broadcast %and3A_126 : i32 to vector<16xi32>
    %and3A_128 = arith.andi %get3A_125, %and3A_127 : vector<16xi32>
    %swap3A_129 = arith.constant 32 : index
    %swap3A_130 = tpu.vector_load %arg10[%swap3A_129] {strides = array<i32>} : memref<64xi32, #tpu.memory_space<vmem>>, vector<16xi32>,
    %swap3A_131 = vector.shape_cast %swap3A_130 : vector<16xi32> to vector<16xi32>
    %swap3A_132 = vector.shape_cast %and3A_128 : vector<16xi32> to vector<16xi32>
    tpu.vector_store %arg10[%swap3A_129], %swap3A_132 {strides = array<i32>} : memref<64xi32, #tpu.memory_space<vmem>>, vector<16xi32>,
    %shift_right_arithmetic3A_133 = arith.constant 16 : i32
    %shift_right_arithmetic3A_134 = vector.broadcast %shift_right_arithmetic3A_133 : i32 to vector<16xi32>
    %shift_right_arithmetic3A_135 = arith.shrsi %get3A_125, %shift_right_arithmetic3A_134 : vector<16xi32>
    %swap3A_136 = arith.constant 32 : index
    %swap3A_137 = tpu.vector_load %arg14[%swap3A_136] {strides = array<i32>} : memref<64xi32, #tpu.memory_space<vmem>>, vector<16xi32>,
    %swap3A_138 = vector.shape_cast %swap3A_137 : vector<16xi32> to vector<16xi32>
    %swap3A_139 = vector.shape_cast %shift_right_arithmetic3A_135 : vector<16xi32> to vector<16xi32>
    tpu.vector_store %arg14[%swap3A_136], %swap3A_139 {strides = array<i32>} : memref<64xi32, #tpu.memory_space<vmem>>, vector<16xi32>,
    %get3A_140 = arith.constant 0 : i32
    %get3A_141 = arith.index_cast %get3A_140 : i32 to index
    %get3A_142 = arith.constant 112 : index
    %get3A_143 = tpu.vector_load %arg8[%get3A_141, %get3A_142] {strides = array<i32>} : memref<80x128xi32, #tpu.memory_space<vmem>>, vector<1x16xi32>,
    %get3A_144 = vector.shape_cast %get3A_143 : vector<1x16xi32> to vector<16xi32>
    %and3A_145 = arith.constant 65535 : i32
    %and3A_146 = vector.broadcast %and3A_145 : i32 to vector<16xi32>
    %and3A_147 = arith.andi %get3A_144, %and3A_146 : vector<16xi32>
    %swap3A_148 = arith.constant 48 : index
    %swap3A_149 = tpu.vector_load %arg10[%swap3A_148] {strides = array<i32>} : memref<64xi32, #tpu.memory_space<vmem>>, vector<16xi32>,
    %swap3A_150 = vector.shape_cast %swap3A_149 : vector<16xi32> to vector<16xi32>
    %swap3A_151 = vector.shape_cast %and3A_147 : vector<16xi32> to vector<16xi32>
    tpu.vector_store %arg10[%swap3A_148], %swap3A_151 {strides = array<i32>} : memref<64xi32, #tpu.memory_space<vmem>>, vector<16xi32>,
    %shift_right_arithmetic3A_152 = arith.constant 16 : i32
    %shift_right_arithmetic3A_153 = vector.broadcast %shift_right_arithmetic3A_152 : i32 to vector<16xi32>
    %shift_right_arithmetic3A_154 = arith.shrsi %get3A_144, %shift_right_arithmetic3A_153 : vector<16xi32>
    %swap3A_155 = arith.constant 48 : index
    %swap3A_156 = tpu.vector_load %arg14[%swap3A_155] {strides = array<i32>} : memref<64xi32, #tpu.memory_space<vmem>>, vector<16xi32>,
    %swap3A_157 = vector.shape_cast %swap3A_156 : vector<16xi32> to vector<16xi32>
    %swap3A_158 = vector.shape_cast %shift_right_arithmetic3A_154 : vector<16xi32> to vector<16xi32>
    tpu.vector_store %arg14[%swap3A_155], %swap3A_158 {strides = array<i32>} : memref<64xi32, #tpu.memory_space<vmem>>, vector<16xi32>,
    %dma_start3A_159 = arith.constant 0 : i32
    %dma_start3A_160 = arith.constant 0 : i32
    %dma_start3A_161 = tpu.memref_slice %arg2[%dma_start3A_159, %dma_start3A_160] : memref<10000x128xf32, #tpu.memory_space<hbm>> -> memref<10000x128xf32, #tpu.memory_space<hbm>>
    tpu.enqueue_indirect_dma source(%dma_start3A_161 : memref<10000x128xf32, #tpu.memory_space<hbm>>) target(%arg18 : memref<64x128xf32, #tpu.memory_space<vmem>>) offsets(%arg10 : memref<64xi32, #tpu.memory_space<vmem>>) semaphore(%arg22 : memref<!tpu.dma_semaphore, #tpu.memory_space<semaphore_mem>>)
    %get3A_162 = arith.constant 1 : i32
    %get3A_163 = arith.index_cast %get3A_162 : i32 to index
    %get3A_164 = arith.constant 0 : index
    %get3A_165 = tpu.vector_load %arg8[%get3A_163, %get3A_164] {strides = array<i32>} : memref<80x128xi32, #tpu.memory_space<vmem>>, vector<1x16xi32>,
    %get3A_166 = vector.shape_cast %get3A_165 : vector<1x16xi32> to vector<16xi32>
    %and3A_167 = arith.constant 65535 : i32
    %and3A_168 = vector.broadcast %and3A_167 : i32 to vector<16xi32>
    %and3A_169 = arith.andi %get3A_166, %and3A_168 : vector<16xi32>
    %swap3A_170 = arith.constant 0 : index
    %swap3A_171 = tpu.vector_load %arg11[%swap3A_170] {strides = array<i32>} : memref<64xi32, #tpu.memory_space<vmem>>, vector<16xi32>,
    %swap3A_172 = vector.shape_cast %swap3A_171 : vector<16xi32> to vector<16xi32>
    %swap3A_173 = vector.shape_cast %and3A_169 : vector<16xi32> to vector<16xi32>
    tpu.vector_store %arg11[%swap3A_170], %swap3A_173 {strides = array<i32>} : memref<64xi32, #tpu.memory_space<vmem>>, vector<16xi32>,
    %shift_right_arithmetic3A_174 = arith.constant 16 : i32
    %shift_right_arithmetic3A_175 = vector.broadcast %shift_right_arithmetic3A_174 : i32 to vector<16xi32>
    %shift_right_arithmetic3A_176 = arith.shrsi %get3A_166, %shift_right_arithmetic3A_175 : vector<16xi32>
    %swap3A_177 = arith.constant 0 : index
    %swap3A_178 = tpu.vector_load %arg15[%swap3A_177] {strides = array<i32>} : memref<64xi32, #tpu.memory_space<vmem>>, vector<16xi32>,
    %swap3A_179 = vector.shape_cast %swap3A_178 : vector<16xi32> to vector<16xi32>
    %swap3A_180 = vector.shape_cast %shift_right_arithmetic3A_176 : vector<16xi32> to vector<16xi32>
    tpu.vector_store %arg15[%swap3A_177], %swap3A_180 {strides = array<i32>} : memref<64xi32, #tpu.memory_space<vmem>>, vector<16xi32>,
    %get3A_181 = arith.constant 1 : i32
    %get3A_182 = arith.index_cast %get3A_181 : i32 to index
    %get3A_183 = arith.constant 16 : index
    %get3A_184 = tpu.vector_load %arg8[%get3A_182, %get3A_183] {strides = array<i32>} : memref<80x128xi32, #tpu.memory_space<vmem>>, vector<1x16xi32>,
    %get3A_185 = vector.shape_cast %get3A_184 : vector<1x16xi32> to vector<16xi32>
    %and3A_186 = arith.constant 65535 : i32
    %and3A_187 = vector.broadcast %and3A_186 : i32 to vector<16xi32>
    %and3A_188 = arith.andi %get3A_185, %and3A_187 : vector<16xi32>
    %swap3A_189 = arith.constant 16 : index
    %swap3A_190 = tpu.vector_load %arg11[%swap3A_189] {strides = array<i32>} : memref<64xi32, #tpu.memory_space<vmem>>, vector<16xi32>,
    %swap3A_191 = vector.shape_cast %swap3A_190 : vector<16xi32> to vector<16xi32>
    %swap3A_192 = vector.shape_cast %and3A_188 : vector<16xi32> to vector<16xi32>
    tpu.vector_store %arg11[%swap3A_189], %swap3A_192 {strides = array<i32>} : memref<64xi32, #tpu.memory_space<vmem>>, vector<16xi32>,
    %shift_right_arithmetic3A_193 = arith.constant 16 : i32
    %shift_right_arithmetic3A_194 = vector.broadcast %shift_right_arithmetic3A_193 : i32 to vector<16xi32>
    %shift_right_arithmetic3A_195 = arith.shrsi %get3A_185, %shift_right_arithmetic3A_194 : vector<16xi32>
    %swap3A_196 = arith.constant 16 : index
    %swap3A_197 = tpu.vector_load %arg15[%swap3A_196] {strides = array<i32>} : memref<64xi32, #tpu.memory_space<vmem>>, vector<16xi32>,
    %swap3A_198 = vector.shape_cast %swap3A_197 : vector<16xi32> to vector<16xi32>
    %swap3A_199 = vector.shape_cast %shift_right_arithmetic3A_195 : vector<16xi32> to vector<16xi32>
    tpu.vector_store %arg15[%swap3A_196], %swap3A_199 {strides = array<i32>} : memref<64xi32, #tpu.memory_space<vmem>>, vector<16xi32>,
    %get3A_200 = arith.constant 1 : i32
    %get3A_201 = arith.index_cast %get3A_200 : i32 to index
    %get3A_202 = arith.constant 32 : index
    %get3A_203 = tpu.vector_load %arg8[%get3A_201, %get3A_202] {strides = array<i32>} : memref<80x128xi32, #tpu.memory_space<vmem>>, vector<1x16xi32>,
    %get3A_204 = vector.shape_cast %get3A_203 : vector<1x16xi32> to vector<16xi32>
    %and3A_205 = arith.constant 65535 : i32
    %and3A_206 = vector.broadcast %and3A_205 : i32 to vector<16xi32>
    %and3A_207 = arith.andi %get3A_204, %and3A_206 : vector<16xi32>
    %swap3A_208 = arith.constant 32 : index
    %swap3A_209 = tpu.vector_load %arg11[%swap3A_208] {strides = array<i32>} : memref<64xi32, #tpu.memory_space<vmem>>, vector<16xi32>,
    %swap3A_210 = vector.shape_cast %swap3A_209 : vector<16xi32> to vector<16xi32>
    %swap3A_211 = vector.shape_cast %and3A_207 : vector<16xi32> to vector<16xi32>
    tpu.vector_store %arg11[%swap3A_208], %swap3A_211 {strides = array<i32>} : memref<64xi32, #tpu.memory_space<vmem>>, vector<16xi32>,
    %shift_right_arithmetic3A_212 = arith.constant 16 : i32
    %shift_right_arithmetic3A_213 = vector.broadcast %shift_right_arithmetic3A_212 : i32 to vector<16xi32>
    %shift_right_arithmetic3A_214 = arith.shrsi %get3A_204, %shift_right_arithmetic3A_213 : vector<16xi32>
    %swap3A_215 = arith.constant 32 : index
    %swap3A_216 = tpu.vector_load %arg15[%swap3A_215] {strides = array<i32>} : memref<64xi32, #tpu.memory_space<vmem>>, vector<16xi32>,
    %swap3A_217 = vector.shape_cast %swap3A_216 : vector<16xi32> to vector<16xi32>
    %swap3A_218 = vector.shape_cast %shift_right_arithmetic3A_214 : vector<16xi32> to vector<16xi32>
    tpu.vector_store %arg15[%swap3A_215], %swap3A_218 {strides = array<i32>} : memref<64xi32, #tpu.memory_space<vmem>>, vector<16xi32>,
    %get3A_219 = arith.constant 1 : i32
    %get3A_220 = arith.index_cast %get3A_219 : i32 to index
    %get3A_221 = arith.constant 48 : index
    %get3A_222 = tpu.vector_load %arg8[%get3A_220, %get3A_221] {strides = array<i32>} : memref<80x128xi32, #tpu.memory_space<vmem>>, vector<1x16xi32>,
    %get3A_223 = vector.shape_cast %get3A_222 : vector<1x16xi32> to vector<16xi32>
    %and3A_224 = arith.constant 65535 : i32
    %and3A_225 = vector.broadcast %and3A_224 : i32 to vector<16xi32>
    %and3A_226 = arith.andi %get3A_223, %and3A_225 : vector<16xi32>
    %swap3A_227 = arith.constant 48 : index
    %swap3A_228 = tpu.vector_load %arg11[%swap3A_227] {strides = array<i32>} : memref<64xi32, #tpu.memory_space<vmem>>, vector<16xi32>,
    %swap3A_229 = vector.shape_cast %swap3A_228 : vector<16xi32> to vector<16xi32>
    %swap3A_230 = vector.shape_cast %and3A_226 : vector<16xi32> to vector<16xi32>
    tpu.vector_store %arg11[%swap3A_227], %swap3A_230 {strides = array<i32>} : memref<64xi32, #tpu.memory_space<vmem>>, vector<16xi32>,
    %shift_right_arithmetic3A_231 = arith.constant 16 : i32
    %shift_right_arithmetic3A_232 = vector.broadcast %shift_right_arithmetic3A_231 : i32 to vector<16xi32>
    %shift_right_arithmetic3A_233 = arith.shrsi %get3A_223, %shift_right_arithmetic3A_232 : vector<16xi32>
    %swap3A_234 = arith.constant 48 : index
    %swap3A_235 = tpu.vector_load %arg15[%swap3A_234] {strides = array<i32>} : memref<64xi32, #tpu.memory_space<vmem>>, vector<16xi32>,
    %swap3A_236 = vector.shape_cast %swap3A_235 : vector<16xi32> to vector<16xi32>
    %swap3A_237 = vector.shape_cast %shift_right_arithmetic3A_233 : vector<16xi32> to vector<16xi32>
    tpu.vector_store %arg15[%swap3A_234], %swap3A_237 {strides = array<i32>} : memref<64xi32, #tpu.memory_space<vmem>>, vector<16xi32>,
    %dma_start3A_238 = arith.constant 0 : i32
    %dma_start3A_239 = arith.constant 0 : i32
    %dma_start3A_240 = tpu.memref_slice %arg2[%dma_start3A_238, %dma_start3A_239] : memref<10000x128xf32, #tpu.memory_space<hbm>> -> memref<10000x128xf32, #tpu.memory_space<hbm>>
    tpu.enqueue_indirect_dma source(%dma_start3A_240 : memref<10000x128xf32, #tpu.memory_space<hbm>>) target(%arg19 : memref<64x128xf32, #tpu.memory_space<vmem>>) offsets(%arg11 : memref<64xi32, #tpu.memory_space<vmem>>) semaphore(%arg23 : memref<!tpu.dma_semaphore, #tpu.memory_space<semaphore_mem>>)
    %get3A_241 = arith.constant 1 : i32
    %get3A_242 = arith.index_cast %get3A_241 : i32 to index
    %get3A_243 = arith.constant 64 : index
    %get3A_244 = tpu.vector_load %arg8[%get3A_242, %get3A_243] {strides = array<i32>} : memref<80x128xi32, #tpu.memory_space<vmem>>, vector<1x16xi32>,
    %get3A_245 = vector.shape_cast %get3A_244 : vector<1x16xi32> to vector<16xi32>
    %and3A_246 = arith.constant 65535 : i32
    %and3A_247 = vector.broadcast %and3A_246 : i32 to vector<16xi32>
    %and3A_248 = arith.andi %get3A_245, %and3A_247 : vector<16xi32>
    %swap3A_249 = arith.constant 0 : index
    %swap3A_250 = tpu.vector_load %arg12[%swap3A_249] {strides = array<i32>} : memref<64xi32, #tpu.memory_space<vmem>>, vector<16xi32>,
    %swap3A_251 = vector.shape_cast %swap3A_250 : vector<16xi32> to vector<16xi32>
    %swap3A_252 = vector.shape_cast %and3A_248 : vector<16xi32> to vector<16xi32>
    tpu.vector_store %arg12[%swap3A_249], %swap3A_252 {strides = array<i32>} : memref<64xi32, #tpu.memory_space<vmem>>, vector<16xi32>,
    %shift_right_arithmetic3A_253 = arith.constant 16 : i32
    %shift_right_arithmetic3A_254 = vector.broadcast %shift_right_arithmetic3A_253 : i32 to vector<16xi32>
    %shift_right_arithmetic3A_255 = arith.shrsi %get3A_245, %shift_right_arithmetic3A_254 : vector<16xi32>
    %swap3A_256 = arith.constant 0 : index
    %swap3A_257 = tpu.vector_load %arg16[%swap3A_256] {strides = array<i32>} : memref<64xi32, #tpu.memory_space<vmem>>, vector<16xi32>,
    %swap3A_258 = vector.shape_cast %swap3A_257 : vector<16xi32> to vector<16xi32>
    %swap3A_259 = vector.shape_cast %shift_right_arithmetic3A_255 : vector<16xi32> to vector<16xi32>
    tpu.vector_store %arg16[%swap3A_256], %swap3A_259 {strides = array<i32>} : memref<64xi32, #tpu.memory_space<vmem>>, vector<16xi32>,
    %get3A_260 = arith.constant 1 : i32
    %get3A_261 = arith.index_cast %get3A_260 : i32 to index
    %get3A_262 = arith.constant 80 : index
    %get3A_263 = tpu.vector_load %arg8[%get3A_261, %get3A_262] {strides = array<i32>} : memref<80x128xi32, #tpu.memory_space<vmem>>, vector<1x16xi32>,
    %get3A_264 = vector.shape_cast %get3A_263 : vector<1x16xi32> to vector<16xi32>
    %and3A_265 = arith.constant 65535 : i32
    %and3A_266 = vector.broadcast %and3A_265 : i32 to vector<16xi32>
    %and3A_267 = arith.andi %get3A_264, %and3A_266 : vector<16xi32>
    %swap3A_268 = arith.constant 16 : index
    %swap3A_269 = tpu.vector_load %arg12[%swap3A_268] {strides = array<i32>} : memref<64xi32, #tpu.memory_space<vmem>>, vector<16xi32>,
    %swap3A_270 = vector.shape_cast %swap3A_269 : vector<16xi32> to vector<16xi32>
    %swap3A_271 = vector.shape_cast %and3A_267 : vector<16xi32> to vector<16xi32>
    tpu.vector_store %arg12[%swap3A_268], %swap3A_271 {strides = array<i32>} : memref<64xi32, #tpu.memory_space<vmem>>, vector<16xi32>,
    %shift_right_arithmetic3A_272 = arith.constant 16 : i32
    %shift_right_arithmetic3A_273 = vector.broadcast %shift_right_arithmetic3A_272 : i32 to vector<16xi32>
    %shift_right_arithmetic3A_274 = arith.shrsi %get3A_264, %shift_right_arithmetic3A_273 : vector<16xi32>
    %swap3A_275 = arith.constant 16 : index
    %swap3A_276 = tpu.vector_load %arg16[%swap3A_275] {strides = array<i32>} : memref<64xi32, #tpu.memory_space<vmem>>, vector<16xi32>,
    %swap3A_277 = vector.shape_cast %swap3A_276 : vector<16xi32> to vector<16xi32>
    %swap3A_278 = vector.shape_cast %shift_right_arithmetic3A_274 : vector<16xi32> to vector<16xi32>
    tpu.vector_store %arg16[%swap3A_275], %swap3A_278 {strides = array<i32>} : memref<64xi32, #tpu.memory_space<vmem>>, vector<16xi32>,
    %get3A_279 = arith.constant 1 : i32
    %get3A_280 = arith.index_cast %get3A_279 : i32 to index
    %get3A_281 = arith.constant 96 : index
    %get3A_282 = tpu.vector_load %arg8[%get3A_280, %get3A_281] {strides = array<i32>} : memref<80x128xi32, #tpu.memory_space<vmem>>, vector<1x16xi32>,
    %get3A_283 = vector.shape_cast %get3A_282 : vector<1x16xi32> to vector<16xi32>
    %and3A_284 = arith.constant 65535 : i32
    %and3A_285 = vector.broadcast %and3A_284 : i32 to vector<16xi32>
    %and3A_286 = arith.andi %get3A_283, %and3A_285 : vector<16xi32>
    %swap3A_287 = arith.constant 32 : index
    %swap3A_288 = tpu.vector_load %arg12[%swap3A_287] {strides = array<i32>} : memref<64xi32, #tpu.memory_space<vmem>>, vector<16xi32>,
    %swap3A_289 = vector.shape_cast %swap3A_288 : vector<16xi32> to vector<16xi32>
    %swap3A_290 = vector.shape_cast %and3A_286 : vector<16xi32> to vector<16xi32>
    tpu.vector_store %arg12[%swap3A_287], %swap3A_290 {strides = array<i32>} : memref<64xi32, #tpu.memory_space<vmem>>, vector<16xi32>,
    %shift_right_arithmetic3A_291 = arith.constant 16 : i32
    %shift_right_arithmetic3A_292 = vector.broadcast %shift_right_arithmetic3A_291 : i32 to vector<16xi32>
    %shift_right_arithmetic3A_293 = arith.shrsi %get3A_283, %shift_right_arithmetic3A_292 : vector<16xi32>
    %swap3A_294 = arith.constant 32 : index
    %swap3A_295 = tpu.vector_load %arg16[%swap3A_294] {strides = array<i32>} : memref<64xi32, #tpu.memory_space<vmem>>, vector<16xi32>,
    %swap3A_296 = vector.shape_cast %swap3A_295 : vector<16xi32> to vector<16xi32>
    %swap3A_297 = vector.shape_cast %shift_right_arithmetic3A_293 : vector<16xi32> to vector<16xi32>
    tpu.vector_store %arg16[%swap3A_294], %swap3A_297 {strides = array<i32>} : memref<64xi32, #tpu.memory_space<vmem>>, vector<16xi32>,
    %get3A_298 = arith.constant 1 : i32
    %get3A_299 = arith.index_cast %get3A_298 : i32 to index
    %get3A_300 = arith.constant 112 : index
    %get3A_301 = tpu.vector_load %arg8[%get3A_299, %get3A_300] {strides = array<i32>} : memref<80x128xi32, #tpu.memory_space<vmem>>, vector<1x16xi32>,
    %get3A_302 = vector.shape_cast %get3A_301 : vector<1x16xi32> to vector<16xi32>
    %and3A_303 = arith.constant 65535 : i32
    %and3A_304 = vector.broadcast %and3A_303 : i32 to vector<16xi32>
    %and3A_305 = arith.andi %get3A_302, %and3A_304 : vector<16xi32>
    %swap3A_306 = arith.constant 48 : index
    %swap3A_307 = tpu.vector_load %arg12[%swap3A_306] {strides = array<i32>} : memref<64xi32, #tpu.memory_space<vmem>>, vector<16xi32>,
    %swap3A_308 = vector.shape_cast %swap3A_307 : vector<16xi32> to vector<16xi32>
    %swap3A_309 = vector.shape_cast %and3A_305 : vector<16xi32> to vector<16xi32>
    tpu.vector_store %arg12[%swap3A_306], %swap3A_309 {strides = array<i32>} : memref<64xi32, #tpu.memory_space<vmem>>, vector<16xi32>,
    %shift_right_arithmetic3A_310 = arith.constant 16 : i32
    %shift_right_arithmetic3A_311 = vector.broadcast %shift_right_arithmetic3A_310 : i32 to vector<16xi32>
    %shift_right_arithmetic3A_312 = arith.shrsi %get3A_302, %shift_right_arithmetic3A_311 : vector<16xi32>
    %swap3A_313 = arith.constant 48 : index
    %swap3A_314 = tpu.vector_load %arg16[%swap3A_313] {strides = array<i32>} : memref<64xi32, #tpu.memory_space<vmem>>, vector<16xi32>,
    %swap3A_315 = vector.shape_cast %swap3A_314 : vector<16xi32> to vector<16xi32>
    %swap3A_316 = vector.shape_cast %shift_right_arithmetic3A_312 : vector<16xi32> to vector<16xi32>
    tpu.vector_store %arg16[%swap3A_313], %swap3A_316 {strides = array<i32>} : memref<64xi32, #tpu.memory_space<vmem>>, vector<16xi32>,
    %dma_start3A_317 = arith.constant 0 : i32
    %dma_start3A_318 = arith.constant 0 : i32
    %dma_start3A_319 = tpu.memref_slice %arg2[%dma_start3A_317, %dma_start3A_318] : memref<10000x128xf32, #tpu.memory_space<hbm>> -> memref<10000x128xf32, #tpu.memory_space<hbm>>
    tpu.enqueue_indirect_dma source(%dma_start3A_319 : memref<10000x128xf32, #tpu.memory_space<hbm>>) target(%arg20 : memref<64x128xf32, #tpu.memory_space<vmem>>) offsets(%arg12 : memref<64xi32, #tpu.memory_space<vmem>>) semaphore(%arg24 : memref<!tpu.dma_semaphore, #tpu.memory_space<semaphore_mem>>)
    %mul3A_320 = arith.constant 632 : i32
    %mul3A_321 = arith.muli %arg1, %mul3A_320 : i32
    %mul3A_322 = arith.constant 632 : i32
    %mul3A_323 = arith.muli %arg1, %mul3A_322 : i32
    %dma_wait3A = arith.constant 0 : i32
    %dma_wait3A_324 = tpu.memref_slice %arg7[%mul3A_323, %dma_wait3A] : memref<10112x128xf32, #tpu.memory_space<vmem_shared>> -> memref<632x128xf32, #tpu.memory_space<vmem_shared>>
    %dma_wait3A_325 = arith.constant 0 : i32
    %dma_wait3A_326 = tpu.memref_slice %arg4[%mul3A_321, %dma_wait3A_325] : memref<10112x128xf32, #tpu.memory_space<hbm>> -> memref<632x128xf32, #tpu.memory_space<hbm>>
    tpu.wait_dma2 semaphore(%arg25 : memref<!tpu.dma_semaphore, #tpu.memory_space<semaphore_mem>>) src(%dma_wait3A_326 : memref<632x128xf32, #tpu.memory_space<hbm>>) dst(%dma_wait3A_324 : memref<632x128xf32, #tpu.memory_space<vmem_shared>>)
    %barrier3A = arith.constant 0 : index
    tpu.barrier barrier_id(%barrier3A)
    %scan3A = arith.constant 0 : i32
    %scan3A_327 = arith.constant 40 : i32
    %scan3A_328 = arith.addi %scan3A, %scan3A_327 : i32
    %scan3A_329 = arith.constant 1 : i32
    scf.for %scan3A_339 = %scan3A to %scan3A_328 step %scan3A_329  : i32 {
      %mul3A_340 = arith.constant 2 : i32
      %mul3A_341 = arith.muli %scan3A_339, %mul3A_340 : i32
      %add3A_342 = arith.constant 0 : i32
      %add3A_343 = arith.addi %add3A_342, %mul3A_341 : i32
      %dma_wait3A_344 = arith.constant 0 : i32
      %dma_wait3A_345 = arith.constant 0 : i32
      %dma_wait3A_346 = tpu.memref_slice %arg2[%dma_wait3A_344, %dma_wait3A_345] : memref<10000x128xf32, #tpu.memory_space<hbm>> -> memref<10000x128xf32, #tpu.memory_space<hbm>>
      tpu.wait_indirect_dma semaphore(%arg21 : memref<!tpu.dma_semaphore, #tpu.memory_space<semaphore_mem>>) src(%dma_wait3A_346 : memref<10000x128xf32, #tpu.memory_space<hbm>>) dst(%arg17 : memref<64x128xf32, #tpu.memory_space<vmem>>)
      "tpu.region"() ({
        %run_scoped3A = tpu.sem_alloc : memref<!tpu.dma_semaphore, #tpu.memory_space<semaphore_mem>>
        %dma_start3A_391 = arith.constant 0 : i32
        %dma_start3A_392 = arith.constant 0 : i32
        %dma_start3A_393 = tpu.memref_slice %arg7[%dma_start3A_391, %dma_start3A_392] : memref<10112x128xf32, #tpu.memory_space<vmem_shared>> -> memref<10112x128xf32, #tpu.memory_space<vmem_shared>>
        tpu.enqueue_indirect_dma source(%arg17 : memref<64x128xf32, #tpu.memory_space<vmem>>) target(%dma_start3A_393 : memref<10112x128xf32, #tpu.memory_space<vmem_shared>>) offsets(%arg13 : memref<64xi32, #tpu.memory_space<vmem>>) semaphore(%run_scoped3A : memref<!tpu.dma_semaphore, #tpu.memory_space<semaphore_mem>>) {add = true}
        %dma_wait3A_394 = arith.constant 0 : i32
        %dma_wait3A_395 = arith.constant 0 : i32
        %dma_wait3A_396 = tpu.memref_slice %arg7[%dma_wait3A_394, %dma_wait3A_395] : memref<10112x128xf32, #tpu.memory_space<vmem_shared>> -> memref<10112x128xf32, #tpu.memory_space<vmem_shared>>
        tpu.wait_indirect_dma semaphore(%run_scoped3A : memref<!tpu.dma_semaphore, #tpu.memory_space<semaphore_mem>>) src(%arg17 : memref<64x128xf32, #tpu.memory_space<vmem>>) dst(%dma_wait3A_396 : memref<10112x128xf32, #tpu.memory_space<vmem_shared>>)
        tpu.yield
      }) : () -> ()
      %add3A_347 = arith.constant 2 : i32
      %add3A_348 = arith.addi %add3A_343, %add3A_347 : i32
      %add3A_349 = arith.constant 0 : i32
      %add3A_350 = arith.addi %add3A_348, %add3A_349 : i32
      %lt3A = arith.constant 80 : i32
      %lt3A_351 = arith.cmpi slt, %add3A_350, %lt3A : i32
      %convert_element_type3A_352 = arith.extui %lt3A_351 : i1 to i32
      %cond3A_353 = arith.constant 0 : i32
      %cond3A_354 = arith.cmpi ne, %convert_element_type3A_352, %cond3A_353 : i32
      scf.if %cond3A_354 {
        %add3A_391 = arith.constant 2 : i32
        %add3A_392 = arith.addi %add3A_343, %add3A_391 : i32
        %add3A_393 = arith.constant 0 : i32
        %add3A_394 = arith.addi %add3A_392, %add3A_393 : i32
        %get3A_395 = arith.index_cast %add3A_394 : i32 to index
        %get3A_396 = arith.constant 0 : index
        %get3A_397 = tpu.vector_load %arg8[%get3A_395, %get3A_396] {strides = array<i32>} : memref<80x128xi32, #tpu.memory_space<vmem>>, vector<1x16xi32>,
        %get3A_398 = vector.shape_cast %get3A_397 : vector<1x16xi32> to vector<16xi32>
        %and3A_399 = arith.constant 65535 : i32
        %and3A_400 = vector.broadcast %and3A_399 : i32 to vector<16xi32>
        %and3A_401 = arith.andi %get3A_398, %and3A_400 : vector<16xi32>
        %swap3A_402 = arith.constant 0 : index
        %swap3A_403 = tpu.vector_load %arg9[%swap3A_402] {strides = array<i32>} : memref<64xi32, #tpu.memory_space<vmem>>, vector<16xi32>,
        %swap3A_404 = vector.shape_cast %swap3A_403 : vector<16xi32> to vector<16xi32>
        %swap3A_405 = vector.shape_cast %and3A_401 : vector<16xi32> to vector<16xi32>
        tpu.vector_store %arg9[%swap3A_402], %swap3A_405 {strides = array<i32>} : memref<64xi32, #tpu.memory_space<vmem>>, vector<16xi32>,
        %shift_right_arithmetic3A_406 = arith.constant 16 : i32
        %shift_right_arithmetic3A_407 = vector.broadcast %shift_right_arithmetic3A_406 : i32 to vector<16xi32>
        %shift_right_arithmetic3A_408 = arith.shrsi %get3A_398, %shift_right_arithmetic3A_407 : vector<16xi32>
        %swap3A_409 = arith.constant 0 : index
        %swap3A_410 = tpu.vector_load %arg13[%swap3A_409] {strides = array<i32>} : memref<64xi32, #tpu.memory_space<vmem>>, vector<16xi32>,
        %swap3A_411 = vector.shape_cast %swap3A_410 : vector<16xi32> to vector<16xi32>
        %swap3A_412 = vector.shape_cast %shift_right_arithmetic3A_408 : vector<16xi32> to vector<16xi32>
        tpu.vector_store %arg13[%swap3A_409], %swap3A_412 {strides = array<i32>} : memref<64xi32, #tpu.memory_space<vmem>>, vector<16xi32>,
        %get3A_413 = arith.index_cast %add3A_394 : i32 to index
        %get3A_414 = arith.constant 16 : index
        %get3A_415 = tpu.vector_load %arg8[%get3A_413, %get3A_414] {strides = array<i32>} : memref<80x128xi32, #tpu.memory_space<vmem>>, vector<1x16xi32>,
        %get3A_416 = vector.shape_cast %get3A_415 : vector<1x16xi32> to vector<16xi32>
        %and3A_417 = arith.constant 65535 : i32
        %and3A_418 = vector.broadcast %and3A_417 : i32 to vector<16xi32>
        %and3A_419 = arith.andi %get3A_416, %and3A_418 : vector<16xi32>
        %swap3A_420 = arith.constant 16 : index
        %swap3A_421 = tpu.vector_load %arg9[%swap3A_420] {strides = array<i32>} : memref<64xi32, #tpu.memory_space<vmem>>, vector<16xi32>,
        %swap3A_422 = vector.shape_cast %swap3A_421 : vector<16xi32> to vector<16xi32>
        %swap3A_423 = vector.shape_cast %and3A_419 : vector<16xi32> to vector<16xi32>
        tpu.vector_store %arg9[%swap3A_420], %swap3A_423 {strides = array<i32>} : memref<64xi32, #tpu.memory_space<vmem>>, vector<16xi32>,
        %shift_right_arithmetic3A_424 = arith.constant 16 : i32
        %shift_right_arithmetic3A_425 = vector.broadcast %shift_right_arithmetic3A_424 : i32 to vector<16xi32>
        %shift_right_arithmetic3A_426 = arith.shrsi %get3A_416, %shift_right_arithmetic3A_425 : vector<16xi32>
        %swap3A_427 = arith.constant 16 : index
        %swap3A_428 = tpu.vector_load %arg13[%swap3A_427] {strides = array<i32>} : memref<64xi32, #tpu.memory_space<vmem>>, vector<16xi32>,
        %swap3A_429 = vector.shape_cast %swap3A_428 : vector<16xi32> to vector<16xi32>
        %swap3A_430 = vector.shape_cast %shift_right_arithmetic3A_426 : vector<16xi32> to vector<16xi32>
        tpu.vector_store %arg13[%swap3A_427], %swap3A_430 {strides = array<i32>} : memref<64xi32, #tpu.memory_space<vmem>>, vector<16xi32>,
        %get3A_431 = arith.index_cast %add3A_394 : i32 to index
        %get3A_432 = arith.constant 32 : index
        %get3A_433 = tpu.vector_load %arg8[%get3A_431, %get3A_432] {strides = array<i32>} : memref<80x128xi32, #tpu.memory_space<vmem>>, vector<1x16xi32>,
        %get3A_434 = vector.shape_cast %get3A_433 : vector<1x16xi32> to vector<16xi32>
        %and3A_435 = arith.constant 65535 : i32
        %and3A_436 = vector.broadcast %and3A_435 : i32 to vector<16xi32>
        %and3A_437 = arith.andi %get3A_434, %and3A_436 : vector<16xi32>
        %swap3A_438 = arith.constant 32 : index
        %swap3A_439 = tpu.vector_load %arg9[%swap3A_438] {strides = array<i32>} : memref<64xi32, #tpu.memory_space<vmem>>, vector<16xi32>,
        %swap3A_440 = vector.shape_cast %swap3A_439 : vector<16xi32> to vector<16xi32>
        %swap3A_441 = vector.shape_cast %and3A_437 : vector<16xi32> to vector<16xi32>
        tpu.vector_store %arg9[%swap3A_438], %swap3A_441 {strides = array<i32>} : memref<64xi32, #tpu.memory_space<vmem>>, vector<16xi32>,
        %shift_right_arithmetic3A_442 = arith.constant 16 : i32
        %shift_right_arithmetic3A_443 = vector.broadcast %shift_right_arithmetic3A_442 : i32 to vector<16xi32>
        %shift_right_arithmetic3A_444 = arith.shrsi %get3A_434, %shift_right_arithmetic3A_443 : vector<16xi32>
        %swap3A_445 = arith.constant 32 : index
        %swap3A_446 = tpu.vector_load %arg13[%swap3A_445] {strides = array<i32>} : memref<64xi32, #tpu.memory_space<vmem>>, vector<16xi32>,
        %swap3A_447 = vector.shape_cast %swap3A_446 : vector<16xi32> to vector<16xi32>
        %swap3A_448 = vector.shape_cast %shift_right_arithmetic3A_444 : vector<16xi32> to vector<16xi32>
        tpu.vector_store %arg13[%swap3A_445], %swap3A_448 {strides = array<i32>} : memref<64xi32, #tpu.memory_space<vmem>>, vector<16xi32>,
        %get3A_449 = arith.index_cast %add3A_394 : i32 to index
        %get3A_450 = arith.constant 48 : index
        %get3A_451 = tpu.vector_load %arg8[%get3A_449, %get3A_450] {strides = array<i32>} : memref<80x128xi32, #tpu.memory_space<vmem>>, vector<1x16xi32>,
        %get3A_452 = vector.shape_cast %get3A_451 : vector<1x16xi32> to vector<16xi32>
        %and3A_453 = arith.constant 65535 : i32
        %and3A_454 = vector.broadcast %and3A_453 : i32 to vector<16xi32>
        %and3A_455 = arith.andi %get3A_452, %and3A_454 : vector<16xi32>
        %swap3A_456 = arith.constant 48 : index
        %swap3A_457 = tpu.vector_load %arg9[%swap3A_456] {strides = array<i32>} : memref<64xi32, #tpu.memory_space<vmem>>, vector<16xi32>,
        %swap3A_458 = vector.shape_cast %swap3A_457 : vector<16xi32> to vector<16xi32>
        %swap3A_459 = vector.shape_cast %and3A_455 : vector<16xi32> to vector<16xi32>
        tpu.vector_store %arg9[%swap3A_456], %swap3A_459 {strides = array<i32>} : memref<64xi32, #tpu.memory_space<vmem>>, vector<16xi32>,
        %shift_right_arithmetic3A_460 = arith.constant 16 : i32
        %shift_right_arithmetic3A_461 = vector.broadcast %shift_right_arithmetic3A_460 : i32 to vector<16xi32>
        %shift_right_arithmetic3A_462 = arith.shrsi %get3A_452, %shift_right_arithmetic3A_461 : vector<16xi32>
        %swap3A_463 = arith.constant 48 : index
        %swap3A_464 = tpu.vector_load %arg13[%swap3A_463] {strides = array<i32>} : memref<64xi32, #tpu.memory_space<vmem>>, vector<16xi32>,
        %swap3A_465 = vector.shape_cast %swap3A_464 : vector<16xi32> to vector<16xi32>
        %swap3A_466 = vector.shape_cast %shift_right_arithmetic3A_462 : vector<16xi32> to vector<16xi32>
        tpu.vector_store %arg13[%swap3A_463], %swap3A_466 {strides = array<i32>} : memref<64xi32, #tpu.memory_space<vmem>>, vector<16xi32>,
        %dma_start3A_467 = arith.constant 0 : i32
        %dma_start3A_468 = arith.constant 0 : i32
        %dma_start3A_469 = tpu.memref_slice %arg2[%dma_start3A_467, %dma_start3A_468] : memref<10000x128xf32, #tpu.memory_space<hbm>> -> memref<10000x128xf32, #tpu.memory_space<hbm>>
        tpu.enqueue_indirect_dma source(%dma_start3A_469 : memref<10000x128xf32, #tpu.memory_space<hbm>>) target(%arg17 : memref<64x128xf32, #tpu.memory_space<vmem>>) offsets(%arg9 : memref<64xi32, #tpu.memory_space<vmem>>) semaphore(%arg21 : memref<!tpu.dma_semaphore, #tpu.memory_space<semaphore_mem>>)
      } else {
      }
      %dma_wait3A_355 = arith.constant 0 : i32
      %dma_wait3A_356 = arith.constant 0 : i32
      %dma_wait3A_357 = tpu.memref_slice %arg2[%dma_wait3A_355, %dma_wait3A_356] : memref<10000x128xf32, #tpu.memory_space<hbm>> -> memref<10000x128xf32, #tpu.memory_space<hbm>>
      tpu.wait_indirect_dma semaphore(%arg22 : memref<!tpu.dma_semaphore, #tpu.memory_space<semaphore_mem>>) src(%dma_wait3A_357 : memref<10000x128xf32, #tpu.memory_space<hbm>>) dst(%arg18 : memref<64x128xf32, #tpu.memory_space<vmem>>)
      "tpu.region"() ({
        %run_scoped3A = tpu.sem_alloc : memref<!tpu.dma_semaphore, #tpu.memory_space<semaphore_mem>>
        %dma_start3A_391 = arith.constant 0 : i32
        %dma_start3A_392 = arith.constant 0 : i32
        %dma_start3A_393 = tpu.memref_slice %arg7[%dma_start3A_391, %dma_start3A_392] : memref<10112x128xf32, #tpu.memory_space<vmem_shared>> -> memref<10112x128xf32, #tpu.memory_space<vmem_shared>>
        tpu.enqueue_indirect_dma source(%arg18 : memref<64x128xf32, #tpu.memory_space<vmem>>) target(%dma_start3A_393 : memref<10112x128xf32, #tpu.memory_space<vmem_shared>>) offsets(%arg14 : memref<64xi32, #tpu.memory_space<vmem>>) semaphore(%run_scoped3A : memref<!tpu.dma_semaphore, #tpu.memory_space<semaphore_mem>>) {add = true}
        %dma_wait3A_394 = arith.constant 0 : i32
        %dma_wait3A_395 = arith.constant 0 : i32
        %dma_wait3A_396 = tpu.memref_slice %arg7[%dma_wait3A_394, %dma_wait3A_395] : memref<10112x128xf32, #tpu.memory_space<vmem_shared>> -> memref<10112x128xf32, #tpu.memory_space<vmem_shared>>
        tpu.wait_indirect_dma semaphore(%run_scoped3A : memref<!tpu.dma_semaphore, #tpu.memory_space<semaphore_mem>>) src(%arg18 : memref<64x128xf32, #tpu.memory_space<vmem>>) dst(%dma_wait3A_396 : memref<10112x128xf32, #tpu.memory_space<vmem_shared>>)
        tpu.yield
      }) : () -> ()
      %add3A_358 = arith.constant 2 : i32
      %add3A_359 = arith.addi %add3A_343, %add3A_358 : i32
      %add3A_360 = arith.constant 0 : i32
      %add3A_361 = arith.addi %add3A_359, %add3A_360 : i32
      %lt3A_362 = arith.constant 80 : i32
      %lt3A_363 = arith.cmpi slt, %add3A_361, %lt3A_362 : i32
      %convert_element_type3A_364 = arith.extui %lt3A_363 : i1 to i32
      %cond3A_365 = arith.constant 0 : i32
      %cond3A_366 = arith.cmpi ne, %convert_element_type3A_364, %cond3A_365 : i32
      scf.if %cond3A_366 {
        %add3A_391 = arith.constant 2 : i32
        %add3A_392 = arith.addi %add3A_343, %add3A_391 : i32
        %add3A_393 = arith.constant 0 : i32
        %add3A_394 = arith.addi %add3A_392, %add3A_393 : i32
        %get3A_395 = arith.index_cast %add3A_394 : i32 to index
        %get3A_396 = arith.constant 64 : index
        %get3A_397 = tpu.vector_load %arg8[%get3A_395, %get3A_396] {strides = array<i32>} : memref<80x128xi32, #tpu.memory_space<vmem>>, vector<1x16xi32>,
        %get3A_398 = vector.shape_cast %get3A_397 : vector<1x16xi32> to vector<16xi32>
        %and3A_399 = arith.constant 65535 : i32
        %and3A_400 = vector.broadcast %and3A_399 : i32 to vector<16xi32>
        %and3A_401 = arith.andi %get3A_398, %and3A_400 : vector<16xi32>
        %swap3A_402 = arith.constant 0 : index
        %swap3A_403 = tpu.vector_load %arg10[%swap3A_402] {strides = array<i32>} : memref<64xi32, #tpu.memory_space<vmem>>, vector<16xi32>,
        %swap3A_404 = vector.shape_cast %swap3A_403 : vector<16xi32> to vector<16xi32>
        %swap3A_405 = vector.shape_cast %and3A_401 : vector<16xi32> to vector<16xi32>
        tpu.vector_store %arg10[%swap3A_402], %swap3A_405 {strides = array<i32>} : memref<64xi32, #tpu.memory_space<vmem>>, vector<16xi32>,
        %shift_right_arithmetic3A_406 = arith.constant 16 : i32
        %shift_right_arithmetic3A_407 = vector.broadcast %shift_right_arithmetic3A_406 : i32 to vector<16xi32>
        %shift_right_arithmetic3A_408 = arith.shrsi %get3A_398, %shift_right_arithmetic3A_407 : vector<16xi32>
        %swap3A_409 = arith.constant 0 : index
        %swap3A_410 = tpu.vector_load %arg14[%swap3A_409] {strides = array<i32>} : memref<64xi32, #tpu.memory_space<vmem>>, vector<16xi32>,
        %swap3A_411 = vector.shape_cast %swap3A_410 : vector<16xi32> to vector<16xi32>
        %swap3A_412 = vector.shape_cast %shift_right_arithmetic3A_408 : vector<16xi32> to vector<16xi32>
        tpu.vector_store %arg14[%swap3A_409], %swap3A_412 {strides = array<i32>} : memref<64xi32, #tpu.memory_space<vmem>>, vector<16xi32>,
        %get3A_413 = arith.index_cast %add3A_394 : i32 to index
        %get3A_414 = arith.constant 80 : index
        %get3A_415 = tpu.vector_load %arg8[%get3A_413, %get3A_414] {strides = array<i32>} : memref<80x128xi32, #tpu.memory_space<vmem>>, vector<1x16xi32>,
        %get3A_416 = vector.shape_cast %get3A_415 : vector<1x16xi32> to vector<16xi32>
        %and3A_417 = arith.constant 65535 : i32
        %and3A_418 = vector.broadcast %and3A_417 : i32 to vector<16xi32>
        %and3A_419 = arith.andi %get3A_416, %and3A_418 : vector<16xi32>
        %swap3A_420 = arith.constant 16 : index
        %swap3A_421 = tpu.vector_load %arg10[%swap3A_420] {strides = array<i32>} : memref<64xi32, #tpu.memory_space<vmem>>, vector<16xi32>,
        %swap3A_422 = vector.shape_cast %swap3A_421 : vector<16xi32> to vector<16xi32>
        %swap3A_423 = vector.shape_cast %and3A_419 : vector<16xi32> to vector<16xi32>
        tpu.vector_store %arg10[%swap3A_420], %swap3A_423 {strides = array<i32>} : memref<64xi32, #tpu.memory_space<vmem>>, vector<16xi32>,
        %shift_right_arithmetic3A_424 = arith.constant 16 : i32
        %shift_right_arithmetic3A_425 = vector.broadcast %shift_right_arithmetic3A_424 : i32 to vector<16xi32>
        %shift_right_arithmetic3A_426 = arith.shrsi %get3A_416, %shift_right_arithmetic3A_425 : vector<16xi32>
        %swap3A_427 = arith.constant 16 : index
        %swap3A_428 = tpu.vector_load %arg14[%swap3A_427] {strides = array<i32>} : memref<64xi32, #tpu.memory_space<vmem>>, vector<16xi32>,
        %swap3A_429 = vector.shape_cast %swap3A_428 : vector<16xi32> to vector<16xi32>
        %swap3A_430 = vector.shape_cast %shift_right_arithmetic3A_426 : vector<16xi32> to vector<16xi32>
        tpu.vector_store %arg14[%swap3A_427], %swap3A_430 {strides = array<i32>} : memref<64xi32, #tpu.memory_space<vmem>>, vector<16xi32>,
        %get3A_431 = arith.index_cast %add3A_394 : i32 to index
        %get3A_432 = arith.constant 96 : index
        %get3A_433 = tpu.vector_load %arg8[%get3A_431, %get3A_432] {strides = array<i32>} : memref<80x128xi32, #tpu.memory_space<vmem>>, vector<1x16xi32>,
        %get3A_434 = vector.shape_cast %get3A_433 : vector<1x16xi32> to vector<16xi32>
        %and3A_435 = arith.constant 65535 : i32
        %and3A_436 = vector.broadcast %and3A_435 : i32 to vector<16xi32>
        %and3A_437 = arith.andi %get3A_434, %and3A_436 : vector<16xi32>
        %swap3A_438 = arith.constant 32 : index
        %swap3A_439 = tpu.vector_load %arg10[%swap3A_438] {strides = array<i32>} : memref<64xi32, #tpu.memory_space<vmem>>, vector<16xi32>,
        %swap3A_440 = vector.shape_cast %swap3A_439 : vector<16xi32> to vector<16xi32>
        %swap3A_441 = vector.shape_cast %and3A_437 : vector<16xi32> to vector<16xi32>
        tpu.vector_store %arg10[%swap3A_438], %swap3A_441 {strides = array<i32>} : memref<64xi32, #tpu.memory_space<vmem>>, vector<16xi32>,
        %shift_right_arithmetic3A_442 = arith.constant 16 : i32
        %shift_right_arithmetic3A_443 = vector.broadcast %shift_right_arithmetic3A_442 : i32 to vector<16xi32>
        %shift_right_arithmetic3A_444 = arith.shrsi %get3A_434, %shift_right_arithmetic3A_443 : vector<16xi32>
        %swap3A_445 = arith.constant 32 : index
        %swap3A_446 = tpu.vector_load %arg14[%swap3A_445] {strides = array<i32>} : memref<64xi32, #tpu.memory_space<vmem>>, vector<16xi32>,
        %swap3A_447 = vector.shape_cast %swap3A_446 : vector<16xi32> to vector<16xi32>
        %swap3A_448 = vector.shape_cast %shift_right_arithmetic3A_444 : vector<16xi32> to vector<16xi32>
        tpu.vector_store %arg14[%swap3A_445], %swap3A_448 {strides = array<i32>} : memref<64xi32, #tpu.memory_space<vmem>>, vector<16xi32>,
        %get3A_449 = arith.index_cast %add3A_394 : i32 to index
        %get3A_450 = arith.constant 112 : index
        %get3A_451 = tpu.vector_load %arg8[%get3A_449, %get3A_450] {strides = array<i32>} : memref<80x128xi32, #tpu.memory_space<vmem>>, vector<1x16xi32>,
        %get3A_452 = vector.shape_cast %get3A_451 : vector<1x16xi32> to vector<16xi32>
        %and3A_453 = arith.constant 65535 : i32
        %and3A_454 = vector.broadcast %and3A_453 : i32 to vector<16xi32>
        %and3A_455 = arith.andi %get3A_452, %and3A_454 : vector<16xi32>
        %swap3A_456 = arith.constant 48 : index
        %swap3A_457 = tpu.vector_load %arg10[%swap3A_456] {strides = array<i32>} : memref<64xi32, #tpu.memory_space<vmem>>, vector<16xi32>,
        %swap3A_458 = vector.shape_cast %swap3A_457 : vector<16xi32> to vector<16xi32>
        %swap3A_459 = vector.shape_cast %and3A_455 : vector<16xi32> to vector<16xi32>
        tpu.vector_store %arg10[%swap3A_456], %swap3A_459 {strides = array<i32>} : memref<64xi32, #tpu.memory_space<vmem>>, vector<16xi32>,
        %shift_right_arithmetic3A_460 = arith.constant 16 : i32
        %shift_right_arithmetic3A_461 = vector.broadcast %shift_right_arithmetic3A_460 : i32 to vector<16xi32>
        %shift_right_arithmetic3A_462 = arith.shrsi %get3A_452, %shift_right_arithmetic3A_461 : vector<16xi32>
        %swap3A_463 = arith.constant 48 : index
        %swap3A_464 = tpu.vector_load %arg14[%swap3A_463] {strides = array<i32>} : memref<64xi32, #tpu.memory_space<vmem>>, vector<16xi32>,
        %swap3A_465 = vector.shape_cast %swap3A_464 : vector<16xi32> to vector<16xi32>
        %swap3A_466 = vector.shape_cast %shift_right_arithmetic3A_462 : vector<16xi32> to vector<16xi32>
        tpu.vector_store %arg14[%swap3A_463], %swap3A_466 {strides = array<i32>} : memref<64xi32, #tpu.memory_space<vmem>>, vector<16xi32>,
        %dma_start3A_467 = arith.constant 0 : i32
        %dma_start3A_468 = arith.constant 0 : i32
        %dma_start3A_469 = tpu.memref_slice %arg2[%dma_start3A_467, %dma_start3A_468] : memref<10000x128xf32, #tpu.memory_space<hbm>> -> memref<10000x128xf32, #tpu.memory_space<hbm>>
        tpu.enqueue_indirect_dma source(%dma_start3A_469 : memref<10000x128xf32, #tpu.memory_space<hbm>>) target(%arg18 : memref<64x128xf32, #tpu.memory_space<vmem>>) offsets(%arg10 : memref<64xi32, #tpu.memory_space<vmem>>) semaphore(%arg22 : memref<!tpu.dma_semaphore, #tpu.memory_space<semaphore_mem>>)
      } else {
      }
      %dma_wait3A_367 = arith.constant 0 : i32
      %dma_wait3A_368 = arith.constant 0 : i32
      %dma_wait3A_369 = tpu.memref_slice %arg2[%dma_wait3A_367, %dma_wait3A_368] : memref<10000x128xf32, #tpu.memory_space<hbm>> -> memref<10000x128xf32, #tpu.memory_space<hbm>>
      tpu.wait_indirect_dma semaphore(%arg23 : memref<!tpu.dma_semaphore, #tpu.memory_space<semaphore_mem>>) src(%dma_wait3A_369 : memref<10000x128xf32, #tpu.memory_space<hbm>>) dst(%arg19 : memref<64x128xf32, #tpu.memory_space<vmem>>)
      "tpu.region"() ({
        %run_scoped3A = tpu.sem_alloc : memref<!tpu.dma_semaphore, #tpu.memory_space<semaphore_mem>>
        %dma_start3A_391 = arith.constant 0 : i32
        %dma_start3A_392 = arith.constant 0 : i32
        %dma_start3A_393 = tpu.memref_slice %arg7[%dma_start3A_391, %dma_start3A_392] : memref<10112x128xf32, #tpu.memory_space<vmem_shared>> -> memref<10112x128xf32, #tpu.memory_space<vmem_shared>>
        tpu.enqueue_indirect_dma source(%arg19 : memref<64x128xf32, #tpu.memory_space<vmem>>) target(%dma_start3A_393 : memref<10112x128xf32, #tpu.memory_space<vmem_shared>>) offsets(%arg15 : memref<64xi32, #tpu.memory_space<vmem>>) semaphore(%run_scoped3A : memref<!tpu.dma_semaphore, #tpu.memory_space<semaphore_mem>>) {add = true}
        %dma_wait3A_394 = arith.constant 0 : i32
        %dma_wait3A_395 = arith.constant 0 : i32
        %dma_wait3A_396 = tpu.memref_slice %arg7[%dma_wait3A_394, %dma_wait3A_395] : memref<10112x128xf32, #tpu.memory_space<vmem_shared>> -> memref<10112x128xf32, #tpu.memory_space<vmem_shared>>
        tpu.wait_indirect_dma semaphore(%run_scoped3A : memref<!tpu.dma_semaphore, #tpu.memory_space<semaphore_mem>>) src(%arg19 : memref<64x128xf32, #tpu.memory_space<vmem>>) dst(%dma_wait3A_396 : memref<10112x128xf32, #tpu.memory_space<vmem_shared>>)
        tpu.yield
      }) : () -> ()
      %add3A_370 = arith.constant 2 : i32
      %add3A_371 = arith.addi %add3A_343, %add3A_370 : i32
      %add3A_372 = arith.constant 1 : i32
      %add3A_373 = arith.addi %add3A_371, %add3A_372 : i32
      %lt3A_374 = arith.constant 80 : i32
      %lt3A_375 = arith.cmpi slt, %add3A_373, %lt3A_374 : i32
      %convert_element_type3A_376 = arith.extui %lt3A_375 : i1 to i32
      %cond3A_377 = arith.constant 0 : i32
      %cond3A_378 = arith.cmpi ne, %convert_element_type3A_376, %cond3A_377 : i32
      scf.if %cond3A_378 {
        %add3A_391 = arith.constant 2 : i32
        %add3A_392 = arith.addi %add3A_343, %add3A_391 : i32
        %add3A_393 = arith.constant 1 : i32
        %add3A_394 = arith.addi %add3A_392, %add3A_393 : i32
        %get3A_395 = arith.index_cast %add3A_394 : i32 to index
        %get3A_396 = arith.constant 0 : index
        %get3A_397 = tpu.vector_load %arg8[%get3A_395, %get3A_396] {strides = array<i32>} : memref<80x128xi32, #tpu.memory_space<vmem>>, vector<1x16xi32>,
        %get3A_398 = vector.shape_cast %get3A_397 : vector<1x16xi32> to vector<16xi32>
        %and3A_399 = arith.constant 65535 : i32
        %and3A_400 = vector.broadcast %and3A_399 : i32 to vector<16xi32>
        %and3A_401 = arith.andi %get3A_398, %and3A_400 : vector<16xi32>
        %swap3A_402 = arith.constant 0 : index
        %swap3A_403 = tpu.vector_load %arg11[%swap3A_402] {strides = array<i32>} : memref<64xi32, #tpu.memory_space<vmem>>, vector<16xi32>,
        %swap3A_404 = vector.shape_cast %swap3A_403 : vector<16xi32> to vector<16xi32>
        %swap3A_405 = vector.shape_cast %and3A_401 : vector<16xi32> to vector<16xi32>
        tpu.vector_store %arg11[%swap3A_402], %swap3A_405 {strides = array<i32>} : memref<64xi32, #tpu.memory_space<vmem>>, vector<16xi32>,
        %shift_right_arithmetic3A_406 = arith.constant 16 : i32
        %shift_right_arithmetic3A_407 = vector.broadcast %shift_right_arithmetic3A_406 : i32 to vector<16xi32>
        %shift_right_arithmetic3A_408 = arith.shrsi %get3A_398, %shift_right_arithmetic3A_407 : vector<16xi32>
        %swap3A_409 = arith.constant 0 : index
        %swap3A_410 = tpu.vector_load %arg15[%swap3A_409] {strides = array<i32>} : memref<64xi32, #tpu.memory_space<vmem>>, vector<16xi32>,
        %swap3A_411 = vector.shape_cast %swap3A_410 : vector<16xi32> to vector<16xi32>
        %swap3A_412 = vector.shape_cast %shift_right_arithmetic3A_408 : vector<16xi32> to vector<16xi32>
        tpu.vector_store %arg15[%swap3A_409], %swap3A_412 {strides = array<i32>} : memref<64xi32, #tpu.memory_space<vmem>>, vector<16xi32>,
        %get3A_413 = arith.index_cast %add3A_394 : i32 to index
        %get3A_414 = arith.constant 16 : index
        %get3A_415 = tpu.vector_load %arg8[%get3A_413, %get3A_414] {strides = array<i32>} : memref<80x128xi32, #tpu.memory_space<vmem>>, vector<1x16xi32>,
        %get3A_416 = vector.shape_cast %get3A_415 : vector<1x16xi32> to vector<16xi32>
        %and3A_417 = arith.constant 65535 : i32
        %and3A_418 = vector.broadcast %and3A_417 : i32 to vector<16xi32>
        %and3A_419 = arith.andi %get3A_416, %and3A_418 : vector<16xi32>
        %swap3A_420 = arith.constant 16 : index
        %swap3A_421 = tpu.vector_load %arg11[%swap3A_420] {strides = array<i32>} : memref<64xi32, #tpu.memory_space<vmem>>, vector<16xi32>,
        %swap3A_422 = vector.shape_cast %swap3A_421 : vector<16xi32> to vector<16xi32>
        %swap3A_423 = vector.shape_cast %and3A_419 : vector<16xi32> to vector<16xi32>
        tpu.vector_store %arg11[%swap3A_420], %swap3A_423 {strides = array<i32>} : memref<64xi32, #tpu.memory_space<vmem>>, vector<16xi32>,
        %shift_right_arithmetic3A_424 = arith.constant 16 : i32
        %shift_right_arithmetic3A_425 = vector.broadcast %shift_right_arithmetic3A_424 : i32 to vector<16xi32>
        %shift_right_arithmetic3A_426 = arith.shrsi %get3A_416, %shift_right_arithmetic3A_425 : vector<16xi32>
        %swap3A_427 = arith.constant 16 : index
        %swap3A_428 = tpu.vector_load %arg15[%swap3A_427] {strides = array<i32>} : memref<64xi32, #tpu.memory_space<vmem>>, vector<16xi32>,
        %swap3A_429 = vector.shape_cast %swap3A_428 : vector<16xi32> to vector<16xi32>
        %swap3A_430 = vector.shape_cast %shift_right_arithmetic3A_426 : vector<16xi32> to vector<16xi32>
        tpu.vector_store %arg15[%swap3A_427], %swap3A_430 {strides = array<i32>} : memref<64xi32, #tpu.memory_space<vmem>>, vector<16xi32>,
        %get3A_431 = arith.index_cast %add3A_394 : i32 to index
        %get3A_432 = arith.constant 32 : index
        %get3A_433 = tpu.vector_load %arg8[%get3A_431, %get3A_432] {strides = array<i32>} : memref<80x128xi32, #tpu.memory_space<vmem>>, vector<1x16xi32>,
        %get3A_434 = vector.shape_cast %get3A_433 : vector<1x16xi32> to vector<16xi32>
        %and3A_435 = arith.constant 65535 : i32
        %and3A_436 = vector.broadcast %and3A_435 : i32 to vector<16xi32>
        %and3A_437 = arith.andi %get3A_434, %and3A_436 : vector<16xi32>
        %swap3A_438 = arith.constant 32 : index
        %swap3A_439 = tpu.vector_load %arg11[%swap3A_438] {strides = array<i32>} : memref<64xi32, #tpu.memory_space<vmem>>, vector<16xi32>,
        %swap3A_440 = vector.shape_cast %swap3A_439 : vector<16xi32> to vector<16xi32>
        %swap3A_441 = vector.shape_cast %and3A_437 : vector<16xi32> to vector<16xi32>
        tpu.vector_store %arg11[%swap3A_438], %swap3A_441 {strides = array<i32>} : memref<64xi32, #tpu.memory_space<vmem>>, vector<16xi32>,
        %shift_right_arithmetic3A_442 = arith.constant 16 : i32
        %shift_right_arithmetic3A_443 = vector.broadcast %shift_right_arithmetic3A_442 : i32 to vector<16xi32>
        %shift_right_arithmetic3A_444 = arith.shrsi %get3A_434, %shift_right_arithmetic3A_443 : vector<16xi32>
        %swap3A_445 = arith.constant 32 : index
        %swap3A_446 = tpu.vector_load %arg15[%swap3A_445] {strides = array<i32>} : memref<64xi32, #tpu.memory_space<vmem>>, vector<16xi32>,
        %swap3A_447 = vector.shape_cast %swap3A_446 : vector<16xi32> to vector<16xi32>
        %swap3A_448 = vector.shape_cast %shift_right_arithmetic3A_444 : vector<16xi32> to vector<16xi32>
        tpu.vector_store %arg15[%swap3A_445], %swap3A_448 {strides = array<i32>} : memref<64xi32, #tpu.memory_space<vmem>>, vector<16xi32>,
        %get3A_449 = arith.index_cast %add3A_394 : i32 to index
        %get3A_450 = arith.constant 48 : index
        %get3A_451 = tpu.vector_load %arg8[%get3A_449, %get3A_450] {strides = array<i32>} : memref<80x128xi32, #tpu.memory_space<vmem>>, vector<1x16xi32>,
        %get3A_452 = vector.shape_cast %get3A_451 : vector<1x16xi32> to vector<16xi32>
        %and3A_453 = arith.constant 65535 : i32
        %and3A_454 = vector.broadcast %and3A_453 : i32 to vector<16xi32>
        %and3A_455 = arith.andi %get3A_452, %and3A_454 : vector<16xi32>
        %swap3A_456 = arith.constant 48 : index
        %swap3A_457 = tpu.vector_load %arg11[%swap3A_456] {strides = array<i32>} : memref<64xi32, #tpu.memory_space<vmem>>, vector<16xi32>,
        %swap3A_458 = vector.shape_cast %swap3A_457 : vector<16xi32> to vector<16xi32>
        %swap3A_459 = vector.shape_cast %and3A_455 : vector<16xi32> to vector<16xi32>
        tpu.vector_store %arg11[%swap3A_456], %swap3A_459 {strides = array<i32>} : memref<64xi32, #tpu.memory_space<vmem>>, vector<16xi32>,
        %shift_right_arithmetic3A_460 = arith.constant 16 : i32
        %shift_right_arithmetic3A_461 = vector.broadcast %shift_right_arithmetic3A_460 : i32 to vector<16xi32>
        %shift_right_arithmetic3A_462 = arith.shrsi %get3A_452, %shift_right_arithmetic3A_461 : vector<16xi32>
        %swap3A_463 = arith.constant 48 : index
        %swap3A_464 = tpu.vector_load %arg15[%swap3A_463] {strides = array<i32>} : memref<64xi32, #tpu.memory_space<vmem>>, vector<16xi32>,
        %swap3A_465 = vector.shape_cast %swap3A_464 : vector<16xi32> to vector<16xi32>
        %swap3A_466 = vector.shape_cast %shift_right_arithmetic3A_462 : vector<16xi32> to vector<16xi32>
        tpu.vector_store %arg15[%swap3A_463], %swap3A_466 {strides = array<i32>} : memref<64xi32, #tpu.memory_space<vmem>>, vector<16xi32>,
        %dma_start3A_467 = arith.constant 0 : i32
        %dma_start3A_468 = arith.constant 0 : i32
        %dma_start3A_469 = tpu.memref_slice %arg2[%dma_start3A_467, %dma_start3A_468] : memref<10000x128xf32, #tpu.memory_space<hbm>> -> memref<10000x128xf32, #tpu.memory_space<hbm>>
        tpu.enqueue_indirect_dma source(%dma_start3A_469 : memref<10000x128xf32, #tpu.memory_space<hbm>>) target(%arg19 : memref<64x128xf32, #tpu.memory_space<vmem>>) offsets(%arg11 : memref<64xi32, #tpu.memory_space<vmem>>) semaphore(%arg23 : memref<!tpu.dma_semaphore, #tpu.memory_space<semaphore_mem>>)
      } else {
      }
      %dma_wait3A_379 = arith.constant 0 : i32
      %dma_wait3A_380 = arith.constant 0 : i32
      %dma_wait3A_381 = tpu.memref_slice %arg2[%dma_wait3A_379, %dma_wait3A_380] : memref<10000x128xf32, #tpu.memory_space<hbm>> -> memref<10000x128xf32, #tpu.memory_space<hbm>>
      tpu.wait_indirect_dma semaphore(%arg24 : memref<!tpu.dma_semaphore, #tpu.memory_space<semaphore_mem>>) src(%dma_wait3A_381 : memref<10000x128xf32, #tpu.memory_space<hbm>>) dst(%arg20 : memref<64x128xf32, #tpu.memory_space<vmem>>)
      "tpu.region"() ({
        %run_scoped3A = tpu.sem_alloc : memref<!tpu.dma_semaphore, #tpu.memory_space<semaphore_mem>>
        %dma_start3A_391 = arith.constant 0 : i32
        %dma_start3A_392 = arith.constant 0 : i32
        %dma_start3A_393 = tpu.memref_slice %arg7[%dma_start3A_391, %dma_start3A_392] : memref<10112x128xf32, #tpu.memory_space<vmem_shared>> -> memref<10112x128xf32, #tpu.memory_space<vmem_shared>>
        tpu.enqueue_indirect_dma source(%arg20 : memref<64x128xf32, #tpu.memory_space<vmem>>) target(%dma_start3A_393 : memref<10112x128xf32, #tpu.memory_space<vmem_shared>>) offsets(%arg16 : memref<64xi32, #tpu.memory_space<vmem>>) semaphore(%run_scoped3A : memref<!tpu.dma_semaphore, #tpu.memory_space<semaphore_mem>>) {add = true}
        %dma_wait3A_394 = arith.constant 0 : i32
        %dma_wait3A_395 = arith.constant 0 : i32
        %dma_wait3A_396 = tpu.memref_slice %arg7[%dma_wait3A_394, %dma_wait3A_395] : memref<10112x128xf32, #tpu.memory_space<vmem_shared>> -> memref<10112x128xf32, #tpu.memory_space<vmem_shared>>
        tpu.wait_indirect_dma semaphore(%run_scoped3A : memref<!tpu.dma_semaphore, #tpu.memory_space<semaphore_mem>>) src(%arg20 : memref<64x128xf32, #tpu.memory_space<vmem>>) dst(%dma_wait3A_396 : memref<10112x128xf32, #tpu.memory_space<vmem_shared>>)
        tpu.yield
      }) : () -> ()
      %add3A_382 = arith.constant 2 : i32
      %add3A_383 = arith.addi %add3A_343, %add3A_382 : i32
      %add3A_384 = arith.constant 1 : i32
      %add3A_385 = arith.addi %add3A_383, %add3A_384 : i32
      %lt3A_386 = arith.constant 80 : i32
      %lt3A_387 = arith.cmpi slt, %add3A_385, %lt3A_386 : i32
      %convert_element_type3A_388 = arith.extui %lt3A_387 : i1 to i32
      %cond3A_389 = arith.constant 0 : i32
      %cond3A_390 = arith.cmpi ne, %convert_element_type3A_388, %cond3A_389 : i32
      scf.if %cond3A_390 {
        %add3A_391 = arith.constant 2 : i32
        %add3A_392 = arith.addi %add3A_343, %add3A_391 : i32
        %add3A_393 = arith.constant 1 : i32
        %add3A_394 = arith.addi %add3A_392, %add3A_393 : i32
        %get3A_395 = arith.index_cast %add3A_394 : i32 to index
        %get3A_396 = arith.constant 64 : index
        %get3A_397 = tpu.vector_load %arg8[%get3A_395, %get3A_396] {strides = array<i32>} : memref<80x128xi32, #tpu.memory_space<vmem>>, vector<1x16xi32>,
        %get3A_398 = vector.shape_cast %get3A_397 : vector<1x16xi32> to vector<16xi32>
        %and3A_399 = arith.constant 65535 : i32
        %and3A_400 = vector.broadcast %and3A_399 : i32 to vector<16xi32>
        %and3A_401 = arith.andi %get3A_398, %and3A_400 : vector<16xi32>
        %swap3A_402 = arith.constant 0 : index
        %swap3A_403 = tpu.vector_load %arg12[%swap3A_402] {strides = array<i32>} : memref<64xi32, #tpu.memory_space<vmem>>, vector<16xi32>,
        %swap3A_404 = vector.shape_cast %swap3A_403 : vector<16xi32> to vector<16xi32>
        %swap3A_405 = vector.shape_cast %and3A_401 : vector<16xi32> to vector<16xi32>
        tpu.vector_store %arg12[%swap3A_402], %swap3A_405 {strides = array<i32>} : memref<64xi32, #tpu.memory_space<vmem>>, vector<16xi32>,
        %shift_right_arithmetic3A_406 = arith.constant 16 : i32
        %shift_right_arithmetic3A_407 = vector.broadcast %shift_right_arithmetic3A_406 : i32 to vector<16xi32>
        %shift_right_arithmetic3A_408 = arith.shrsi %get3A_398, %shift_right_arithmetic3A_407 : vector<16xi32>
        %swap3A_409 = arith.constant 0 : index
        %swap3A_410 = tpu.vector_load %arg16[%swap3A_409] {strides = array<i32>} : memref<64xi32, #tpu.memory_space<vmem>>, vector<16xi32>,
        %swap3A_411 = vector.shape_cast %swap3A_410 : vector<16xi32> to vector<16xi32>
        %swap3A_412 = vector.shape_cast %shift_right_arithmetic3A_408 : vector<16xi32> to vector<16xi32>
        tpu.vector_store %arg16[%swap3A_409], %swap3A_412 {strides = array<i32>} : memref<64xi32, #tpu.memory_space<vmem>>, vector<16xi32>,
        %get3A_413 = arith.index_cast %add3A_394 : i32 to index
        %get3A_414 = arith.constant 80 : index
        %get3A_415 = tpu.vector_load %arg8[%get3A_413, %get3A_414] {strides = array<i32>} : memref<80x128xi32, #tpu.memory_space<vmem>>, vector<1x16xi32>,
        %get3A_416 = vector.shape_cast %get3A_415 : vector<1x16xi32> to vector<16xi32>
        %and3A_417 = arith.constant 65535 : i32
        %and3A_418 = vector.broadcast %and3A_417 : i32 to vector<16xi32>
        %and3A_419 = arith.andi %get3A_416, %and3A_418 : vector<16xi32>
        %swap3A_420 = arith.constant 16 : index
        %swap3A_421 = tpu.vector_load %arg12[%swap3A_420] {strides = array<i32>} : memref<64xi32, #tpu.memory_space<vmem>>, vector<16xi32>,
        %swap3A_422 = vector.shape_cast %swap3A_421 : vector<16xi32> to vector<16xi32>
        %swap3A_423 = vector.shape_cast %and3A_419 : vector<16xi32> to vector<16xi32>
        tpu.vector_store %arg12[%swap3A_420], %swap3A_423 {strides = array<i32>} : memref<64xi32, #tpu.memory_space<vmem>>, vector<16xi32>,
        %shift_right_arithmetic3A_424 = arith.constant 16 : i32
        %shift_right_arithmetic3A_425 = vector.broadcast %shift_right_arithmetic3A_424 : i32 to vector<16xi32>
        %shift_right_arithmetic3A_426 = arith.shrsi %get3A_416, %shift_right_arithmetic3A_425 : vector<16xi32>
        %swap3A_427 = arith.constant 16 : index
        %swap3A_428 = tpu.vector_load %arg16[%swap3A_427] {strides = array<i32>} : memref<64xi32, #tpu.memory_space<vmem>>, vector<16xi32>,
        %swap3A_429 = vector.shape_cast %swap3A_428 : vector<16xi32> to vector<16xi32>
        %swap3A_430 = vector.shape_cast %shift_right_arithmetic3A_426 : vector<16xi32> to vector<16xi32>
        tpu.vector_store %arg16[%swap3A_427], %swap3A_430 {strides = array<i32>} : memref<64xi32, #tpu.memory_space<vmem>>, vector<16xi32>,
        %get3A_431 = arith.index_cast %add3A_394 : i32 to index
        %get3A_432 = arith.constant 96 : index
        %get3A_433 = tpu.vector_load %arg8[%get3A_431, %get3A_432] {strides = array<i32>} : memref<80x128xi32, #tpu.memory_space<vmem>>, vector<1x16xi32>,
        %get3A_434 = vector.shape_cast %get3A_433 : vector<1x16xi32> to vector<16xi32>
        %and3A_435 = arith.constant 65535 : i32
        %and3A_436 = vector.broadcast %and3A_435 : i32 to vector<16xi32>
        %and3A_437 = arith.andi %get3A_434, %and3A_436 : vector<16xi32>
        %swap3A_438 = arith.constant 32 : index
        %swap3A_439 = tpu.vector_load %arg12[%swap3A_438] {strides = array<i32>} : memref<64xi32, #tpu.memory_space<vmem>>, vector<16xi32>,
        %swap3A_440 = vector.shape_cast %swap3A_439 : vector<16xi32> to vector<16xi32>
        %swap3A_441 = vector.shape_cast %and3A_437 : vector<16xi32> to vector<16xi32>
        tpu.vector_store %arg12[%swap3A_438], %swap3A_441 {strides = array<i32>} : memref<64xi32, #tpu.memory_space<vmem>>, vector<16xi32>,
        %shift_right_arithmetic3A_442 = arith.constant 16 : i32
        %shift_right_arithmetic3A_443 = vector.broadcast %shift_right_arithmetic3A_442 : i32 to vector<16xi32>
        %shift_right_arithmetic3A_444 = arith.shrsi %get3A_434, %shift_right_arithmetic3A_443 : vector<16xi32>
        %swap3A_445 = arith.constant 32 : index
        %swap3A_446 = tpu.vector_load %arg16[%swap3A_445] {strides = array<i32>} : memref<64xi32, #tpu.memory_space<vmem>>, vector<16xi32>,
        %swap3A_447 = vector.shape_cast %swap3A_446 : vector<16xi32> to vector<16xi32>
        %swap3A_448 = vector.shape_cast %shift_right_arithmetic3A_444 : vector<16xi32> to vector<16xi32>
        tpu.vector_store %arg16[%swap3A_445], %swap3A_448 {strides = array<i32>} : memref<64xi32, #tpu.memory_space<vmem>>, vector<16xi32>,
        %get3A_449 = arith.index_cast %add3A_394 : i32 to index
        %get3A_450 = arith.constant 112 : index
        %get3A_451 = tpu.vector_load %arg8[%get3A_449, %get3A_450] {strides = array<i32>} : memref<80x128xi32, #tpu.memory_space<vmem>>, vector<1x16xi32>,
        %get3A_452 = vector.shape_cast %get3A_451 : vector<1x16xi32> to vector<16xi32>
        %and3A_453 = arith.constant 65535 : i32
        %and3A_454 = vector.broadcast %and3A_453 : i32 to vector<16xi32>
        %and3A_455 = arith.andi %get3A_452, %and3A_454 : vector<16xi32>
        %swap3A_456 = arith.constant 48 : index
        %swap3A_457 = tpu.vector_load %arg12[%swap3A_456] {strides = array<i32>} : memref<64xi32, #tpu.memory_space<vmem>>, vector<16xi32>,
        %swap3A_458 = vector.shape_cast %swap3A_457 : vector<16xi32> to vector<16xi32>
        %swap3A_459 = vector.shape_cast %and3A_455 : vector<16xi32> to vector<16xi32>
        tpu.vector_store %arg12[%swap3A_456], %swap3A_459 {strides = array<i32>} : memref<64xi32, #tpu.memory_space<vmem>>, vector<16xi32>,
        %shift_right_arithmetic3A_460 = arith.constant 16 : i32
        %shift_right_arithmetic3A_461 = vector.broadcast %shift_right_arithmetic3A_460 : i32 to vector<16xi32>
        %shift_right_arithmetic3A_462 = arith.shrsi %get3A_452, %shift_right_arithmetic3A_461 : vector<16xi32>
        %swap3A_463 = arith.constant 48 : index
        %swap3A_464 = tpu.vector_load %arg16[%swap3A_463] {strides = array<i32>} : memref<64xi32, #tpu.memory_space<vmem>>, vector<16xi32>,
        %swap3A_465 = vector.shape_cast %swap3A_464 : vector<16xi32> to vector<16xi32>
        %swap3A_466 = vector.shape_cast %shift_right_arithmetic3A_462 : vector<16xi32> to vector<16xi32>
        tpu.vector_store %arg16[%swap3A_463], %swap3A_466 {strides = array<i32>} : memref<64xi32, #tpu.memory_space<vmem>>, vector<16xi32>,
        %dma_start3A_467 = arith.constant 0 : i32
        %dma_start3A_468 = arith.constant 0 : i32
        %dma_start3A_469 = tpu.memref_slice %arg2[%dma_start3A_467, %dma_start3A_468] : memref<10000x128xf32, #tpu.memory_space<hbm>> -> memref<10000x128xf32, #tpu.memory_space<hbm>>
        tpu.enqueue_indirect_dma source(%dma_start3A_469 : memref<10000x128xf32, #tpu.memory_space<hbm>>) target(%arg20 : memref<64x128xf32, #tpu.memory_space<vmem>>) offsets(%arg12 : memref<64xi32, #tpu.memory_space<vmem>>) semaphore(%arg24 : memref<!tpu.dma_semaphore, #tpu.memory_space<semaphore_mem>>)
      } else {
      }
    }
    %scan3A_330 = arith.constant 40 : i32
    %barrier3A_331 = arith.constant 0 : index
    tpu.barrier barrier_id(%barrier3A_331)
    %eq3A = arith.constant 0 : i32
    %eq3A_332 = arith.cmpi eq, %arg0, %eq3A : i32
    %convert_element_type3A = arith.extui %eq3A_332 : i1 to i32
    %cond3A = arith.constant 0 : i32
    %cond3A_333 = arith.cmpi ne, %convert_element_type3A, %cond3A : i32
    scf.if %cond3A_333 {
      %mul3A_339 = arith.constant 632 : i32
      %mul3A_340 = arith.muli %arg1, %mul3A_339 : i32
      %mul3A_341 = arith.constant 632 : i32
      %mul3A_342 = arith.muli %arg1, %mul3A_341 : i32
      "tpu.region"() ({
        %run_scoped3A = tpu.sem_alloc : memref<!tpu.dma_semaphore, #tpu.memory_space<semaphore_mem>>
        %dma_start3A_343 = arith.constant 0 : i32
        %dma_start3A_344 = tpu.memref_slice %arg5[%mul3A_342, %dma_start3A_343] : memref<10112x128xf32, #tpu.memory_space<hbm>> -> memref<632x128xf32, #tpu.memory_space<hbm>>
        %dma_start3A_345 = arith.constant 0 : i32
        %dma_start3A_346 = tpu.memref_slice %arg7[%mul3A_340, %dma_start3A_345] : memref<10112x128xf32, #tpu.memory_space<vmem_shared>> -> memref<632x128xf32, #tpu.memory_space<vmem_shared>>
        tpu.enqueue_dma source(%dma_start3A_346 : memref<632x128xf32, #tpu.memory_space<vmem_shared>>) target(%dma_start3A_344 : memref<632x128xf32, #tpu.memory_space<hbm>>) target_semaphore(%run_scoped3A : memref<!tpu.dma_semaphore, #tpu.memory_space<semaphore_mem>>)
        %dma_wait3A_347 = arith.constant 0 : i32
        %dma_wait3A_348 = tpu.memref_slice %arg5[%mul3A_342, %dma_wait3A_347] : memref<10112x128xf32, #tpu.memory_space<hbm>> -> memref<632x128xf32, #tpu.memory_space<hbm>>
        %dma_wait3A_349 = arith.constant 0 : i32
        %dma_wait3A_350 = tpu.memref_slice %arg7[%mul3A_340, %dma_wait3A_349] : memref<10112x128xf32, #tpu.memory_space<vmem_shared>> -> memref<632x128xf32, #tpu.memory_space<vmem_shared>>
        tpu.wait_dma2 semaphore(%run_scoped3A : memref<!tpu.dma_semaphore, #tpu.memory_space<semaphore_mem>>) src(%dma_wait3A_350 : memref<632x128xf32, #tpu.memory_space<vmem_shared>>) dst(%dma_wait3A_348 : memref<632x128xf32, #tpu.memory_space<hbm>>)
        tpu.yield
      }) : () -> ()
    } else {
    }
    %eq3A_334 = arith.constant 1 : i32
    %eq3A_335 = arith.cmpi eq, %arg0, %eq3A_334 : i32
    %convert_element_type3A_336 = arith.extui %eq3A_335 : i1 to i32
    %cond3A_337 = arith.constant 0 : i32
    %cond3A_338 = arith.cmpi ne, %convert_element_type3A_336, %cond3A_337 : i32
    scf.if %cond3A_338 {
      %mul3A_339 = arith.constant 632 : i32
      %mul3A_340 = arith.muli %arg1, %mul3A_339 : i32
      %mul3A_341 = arith.constant 632 : i32
      %mul3A_342 = arith.muli %arg1, %mul3A_341 : i32
      "tpu.region"() ({
        %run_scoped3A = tpu.sem_alloc : memref<!tpu.dma_semaphore, #tpu.memory_space<semaphore_mem>>
        %dma_start3A_343 = arith.constant 0 : i32
        %dma_start3A_344 = tpu.memref_slice %arg6[%mul3A_342, %dma_start3A_343] : memref<10112x128xf32, #tpu.memory_space<hbm>> -> memref<632x128xf32, #tpu.memory_space<hbm>>
        %dma_start3A_345 = arith.constant 0 : i32
        %dma_start3A_346 = tpu.memref_slice %arg7[%mul3A_340, %dma_start3A_345] : memref<10112x128xf32, #tpu.memory_space<vmem_shared>> -> memref<632x128xf32, #tpu.memory_space<vmem_shared>>
        tpu.enqueue_dma source(%dma_start3A_346 : memref<632x128xf32, #tpu.memory_space<vmem_shared>>) target(%dma_start3A_344 : memref<632x128xf32, #tpu.memory_space<hbm>>) target_semaphore(%run_scoped3A : memref<!tpu.dma_semaphore, #tpu.memory_space<semaphore_mem>>)
        %dma_wait3A_347 = arith.constant 0 : i32
        %dma_wait3A_348 = tpu.memref_slice %arg6[%mul3A_342, %dma_wait3A_347] : memref<10112x128xf32, #tpu.memory_space<hbm>> -> memref<632x128xf32, #tpu.memory_space<hbm>>
        %dma_wait3A_349 = arith.constant 0 : i32
        %dma_wait3A_350 = tpu.memref_slice %arg7[%mul3A_340, %dma_wait3A_349] : memref<10112x128xf32, #tpu.memory_space<vmem_shared>> -> memref<632x128xf32, #tpu.memory_space<vmem_shared>>
        tpu.wait_dma2 semaphore(%run_scoped3A : memref<!tpu.dma_semaphore, #tpu.memory_space<semaphore_mem>>) src(%dma_wait3A_350 : memref<632x128xf32, #tpu.memory_space<vmem_shared>>) dst(%dma_wait3A_348 : memref<632x128xf32, #tpu.memory_space<hbm>>)
        tpu.yield
      }) : () -> ()
    } else {
    }
    return
  }
}

module attributes {stable_mosaic.version = 14 : i64} {
  func.func @_mm_kernel(%arg0: i32, %arg1: memref<10000x128xf32, #tpu.memory_space<vmem>>, %arg2: memref<128x128xf32, #tpu.memory_space<vmem>>, %arg3: memref<1x128xf32, #tpu.memory_space<vmem>>, %arg4: memref<10000x128xf32, #tpu.memory_space<vmem>>) attributes {dimension_semantics = [#tpu.dimension_semantics<arbitrary>], iteration_bounds = array<i64: 1>, scalar_prefetch = 0 : i64, scratch_operands = 0 : i64, tpu.core_type = #tpu.core_type<tc>, window_params = [{transform_indices = @transform_0, window_bounds = array<i64: 10000, 128>}, {pipeline_mode = #tpu.pipeline_mode<synchronous>, transform_indices = @transform_1, window_bounds = array<i64: 128, 128>}, {pipeline_mode = #tpu.pipeline_mode<synchronous>, transform_indices = @transform_2, window_bounds = array<i64: 1, 128>}, {transform_indices = @transform_3, window_bounds = array<i64: 10000, 128>}]} {
    %get3A = arith.constant 0 : index
    %get3A_0 = arith.constant 0 : index
    %get3A_1 = vector.load %arg1[%get3A, %get3A_0] : memref<10000x128xf32, #tpu.memory_space<vmem>>, vector<10000x128xf32>
    %get3A_2 = arith.constant 0 : index
    %get3A_3 = arith.constant 0 : index
    %get3A_4 = vector.load %arg2[%get3A_2, %get3A_3] : memref<128x128xf32, #tpu.memory_space<vmem>>, vector<128x128xf32>
    %dot_general3A = arith.constant dense<0.000000e+00> : vector<10000x128xf32>
    %dot_general3A_5 = tpu.matmul %get3A_1, %get3A_4, %dot_general3A {dimension_numbers = #tpu.dot_dimension_numbers<[1], [0], [0], [1], [0, 0, 1, 1], [], []>, transpose_lhs_hint = false} : vector<10000x128xf32>, vector<128x128xf32>, vector<10000x128xf32> -> vector<10000x128xf32>
    %get3A_6 = arith.constant 0 : index
    %get3A_7 = arith.constant 0 : index
    %get3A_8 = vector.load %arg3[%get3A_6, %get3A_7] : memref<1x128xf32, #tpu.memory_space<vmem>>, vector<1x128xf32>
    %add3A = vector.broadcast %get3A_8 : vector<1x128xf32> to vector<10000x128xf32>
    %add3A_9 = arith.addf %dot_general3A_5, %add3A : vector<10000x128xf32>
    %swap3A = arith.constant 0 : index
    %swap3A_10 = arith.constant 0 : index
    %swap3A_11 = vector.load %arg4[%swap3A, %swap3A_10] : memref<10000x128xf32, #tpu.memory_space<vmem>>, vector<10000x128xf32>
    tpu.vector_store %arg4[%swap3A, %swap3A_10], %add3A_9 {strides = array<i32>} : memref<10000x128xf32, #tpu.memory_space<vmem>>, vector<10000x128xf32>,
    return
  }
  func.func @transform_0(%arg0: i32) -> (i32, i32) {
    %c0_i32 = arith.constant 0 : i32
    %c0_i32_0 = arith.constant 0 : i32
    return %arg0, %c0_i32 : i32, i32
  }
  func.func @transform_1(%arg0: i32) -> (i32, i32) {
    %c0_i32 = arith.constant 0 : i32
    %c0_i32_0 = arith.constant 0 : i32
    %c0_i32_1 = arith.constant 0 : i32
    return %c0_i32, %c0_i32_0 : i32, i32
  }
  func.func @transform_2(%arg0: i32) -> (i32, i32) {
    %c0_i32 = arith.constant 0 : i32
    %c0_i32_0 = arith.constant 0 : i32
    %c0_i32_1 = arith.constant 0 : i32
    return %c0_i32, %c0_i32_0 : i32, i32
  }
  func.func @transform_3(%arg0: i32) -> (i32, i32) {
    %c0_i32 = arith.constant 0 : i32
    %c0_i32_0 = arith.constant 0 : i32
    return %arg0, %c0_i32 : i32, i32
  }
}

module attributes {stable_mosaic.version = 14 : i64} {
  func.func @_final_kernel(%arg0: i32, %arg1: memref<1x1xf32, #tpu.memory_space<smem>>, %arg2: memref<10000x128xf32, #tpu.memory_space<vmem>>, %arg3: memref<10000x128xf32, #tpu.memory_space<vmem>>, %arg4: memref<10000x128xf32, #tpu.memory_space<vmem>>, %arg5: memref<128x128xf32, #tpu.memory_space<vmem>>, %arg6: memref<1x128xf32, #tpu.memory_space<vmem>>, %arg7: memref<10000x128xf32, #tpu.memory_space<vmem>>) attributes {dimension_semantics = [#tpu.dimension_semantics<arbitrary>], iteration_bounds = array<i64: 1>, scalar_prefetch = 0 : i64, scratch_operands = 0 : i64, tpu.core_type = #tpu.core_type<tc>, window_params = [{transform_indices = @transform_0, window_bounds = array<i64: 1, 1>}, {transform_indices = @transform_1, window_bounds = array<i64: 10000, 128>}, {transform_indices = @transform_2, window_bounds = array<i64: 10000, 128>}, {transform_indices = @transform_3, window_bounds = array<i64: 10000, 128>}, {pipeline_mode = #tpu.pipeline_mode<synchronous>, transform_indices = @transform_4, window_bounds = array<i64: 128, 128>}, {pipeline_mode = #tpu.pipeline_mode<synchronous>, transform_indices = @transform_5, window_bounds = array<i64: 1, 128>}, {transform_indices = @transform_6, window_bounds = array<i64: 10000, 128>}]} {
    %get3A = arith.constant 0 : index
    %get3A_0 = arith.constant 0 : index
    %get3A_1 = vector.load %arg2[%get3A, %get3A_0] : memref<10000x128xf32, #tpu.memory_space<vmem>>, vector<10000x128xf32>
    %get3A_2 = arith.constant 0 : index
    %get3A_3 = arith.constant 0 : index
    %get3A_4 = memref.load %arg1[%get3A_2, %get3A_3] : memref<1x1xf32, #tpu.memory_space<smem>>
    %mul3A = vector.broadcast %get3A_4 : f32 to vector<10000x128xf32>
    %mul3A_5 = arith.mulf %get3A_1, %mul3A : vector<10000x128xf32>
    %get3A_6 = arith.constant 0 : index
    %get3A_7 = arith.constant 0 : index
    %get3A_8 = vector.load %arg3[%get3A_6, %get3A_7] : memref<10000x128xf32, #tpu.memory_space<vmem>>, vector<10000x128xf32>
    %add3A = arith.addf %mul3A_5, %get3A_8 : vector<10000x128xf32>
    %get3A_9 = arith.constant 0 : index
    %get3A_10 = arith.constant 0 : index
    %get3A_11 = vector.load %arg4[%get3A_9, %get3A_10] : memref<10000x128xf32, #tpu.memory_space<vmem>>, vector<10000x128xf32>
    %add3A_12 = arith.addf %add3A, %get3A_11 : vector<10000x128xf32>
    %get3A_13 = arith.constant 0 : index
    %get3A_14 = arith.constant 0 : index
    %get3A_15 = vector.load %arg5[%get3A_13, %get3A_14] : memref<128x128xf32, #tpu.memory_space<vmem>>, vector<128x128xf32>
    %dot_general3A = arith.constant dense<0.000000e+00> : vector<10000x128xf32>
    %dot_general3A_16 = tpu.matmul %add3A_12, %get3A_15, %dot_general3A {dimension_numbers = #tpu.dot_dimension_numbers<[1], [0], [0], [1], [0, 0, 1, 1], [], []>, transpose_lhs_hint = false} : vector<10000x128xf32>, vector<128x128xf32>, vector<10000x128xf32> -> vector<10000x128xf32>
    %get3A_17 = arith.constant 0 : index
    %get3A_18 = arith.constant 0 : index
    %get3A_19 = vector.load %arg6[%get3A_17, %get3A_18] : memref<1x128xf32, #tpu.memory_space<vmem>>, vector<1x128xf32>
    %add3A_20 = vector.broadcast %get3A_19 : vector<1x128xf32> to vector<10000x128xf32>
    %add3A_21 = arith.addf %dot_general3A_16, %add3A_20 : vector<10000x128xf32>
    %max3A = arith.constant 0.000000e+00 : f32
    %max3A_22 = vector.broadcast %max3A : f32 to vector<10000x128xf32>
    %max3A_23 = arith.maximumf %add3A_21, %max3A_22 : vector<10000x128xf32>
    %swap3A = arith.constant 0 : index
    %swap3A_24 = arith.constant 0 : index
    %swap3A_25 = vector.load %arg7[%swap3A, %swap3A_24] : memref<10000x128xf32, #tpu.memory_space<vmem>>, vector<10000x128xf32>
    tpu.vector_store %arg7[%swap3A, %swap3A_24], %max3A_23 {strides = array<i32>} : memref<10000x128xf32, #tpu.memory_space<vmem>>, vector<10000x128xf32>,
    return
  }
  func.func @transform_0(%arg0: i32) -> (i32, i32) {
    %c0_i32 = arith.constant 0 : i32
    %c0_i32_0 = arith.constant 0 : i32
    %c0_i32_1 = arith.constant 0 : i32
    return %c0_i32, %c0_i32_0 : i32, i32
  }
  func.func @transform_1(%arg0: i32) -> (i32, i32) {
    %c0_i32 = arith.constant 0 : i32
    %c0_i32_0 = arith.constant 0 : i32
    return %arg0, %c0_i32 : i32, i32
  }
  func.func @transform_2(%arg0: i32) -> (i32, i32) {
    %c0_i32 = arith.constant 0 : i32
    %c0_i32_0 = arith.constant 0 : i32
    return %arg0, %c0_i32 : i32, i32
  }
  func.func @transform_3(%arg0: i32) -> (i32, i32) {
    %c0_i32 = arith.constant 0 : i32
    %c0_i32_0 = arith.constant 0 : i32
    return %arg0, %c0_i32 : i32, i32
  }
  func.func @transform_4(%arg0: i32) -> (i32, i32) {
    %c0_i32 = arith.constant 0 : i32
    %c0_i32_0 = arith.constant 0 : i32
    %c0_i32_1 = arith.constant 0 : i32
    return %c0_i32, %c0_i32_0 : i32, i32
  }
  func.func @transform_5(%arg0: i32) -> (i32, i32) {
    %c0_i32 = arith.constant 0 : i32
    %c0_i32_0 = arith.constant 0 : i32
    %c0_i32_1 = arith.constant 0 : i32
    return %c0_i32, %c0_i32_0 : i32, i32
  }
  func.func @transform_6(%arg0: i32) -> (i32, i32) {
    %c0_i32 = arith.constant 0 : i32
    %c0_i32_0 = arith.constant 0 : i32
    return %arg0, %c0_i32 : i32, i32
  }
}

</mosaic_0001>

<sc_bundles>
// kernel: kernel.5.cloned.1.call-start
scs
__scs_entry_jumppad:
0x0: {  	(pc) =	sbr.rel $0x88, $3  }
0x1: {  	(tag) =	ssettag $0x0;
	lr =	simm.s32 $0x1  }
0x2: {  	[smem:$0x3F9A] =	sst lr;
	_ =	strace $0xD0000000  }
0x3: {  	_ = 	snop  }
0x4: {  	_ = 	snop  }
0x5: {  	_ = 	snop  }
0x6: {  	_ = 	snop  }
0x7: {  	_ = 	snop  }
__scs_overlays_trampoline_lowered:
0x8: {  	[smem:$0x3FA9] =	sst s0  }
0x9: {  	[smem:$0x3FAA] =	sst s1  }
0xa: {  	[smem:$0x3FAB] =	sst s2  }
0xb: {  	[smem:$0x3FAC] =	sst s3  }
0xc: {  	[smem:$0x3FAD] =	sst s4  }
0xd: {  	[smem:$0x3FAE] =	sst s5  }
0xe: {  	[smem:$0x3FAF] =	sst s6  }
0xf: {  	[smem:$0x3FB0] =	sst s7  }
0x10: {  	[smem:$0x3FB1] =	sst s8  }
0x11: {  	[smem:$0x3FB2] =	sst s9;
	s0 =	simm.s32 @!p0 $0x0  }
0x12: {  	s1 =	sld [smem:$0x3F98];
	s0 =	simm.s32 @p0 $0x1  }
0x13: {  	[smem:$0x3FB3] =	sst s0;
	s0 =	simm.s32 @!p1 $0x0  }
0x14: {  	s2 =	sld [smem:$0x3F97];
	s0 =	simm.s32 @p1 $0x1  }
0x15: {  	[smem:$0x3FB4] =	sst s0;
	s0 =	simm.s32 @!p2 $0x0  }
0x16: {  	s3 =	sld [smem:$0x3FDB];
	s0 =	simm.s32 @p2 $0x1  }
0x17: {  	s4 =	simm.s32 $0x1BF5;
	[smem:$0x3FB6] =	sst s0  }
0x18: {  	s0 =	sld [smem:$0x3F99];
	_ =	swait.ge [sflag:s4], $0x0  }
0x19: {  	s7 =	sld [smem:$0x3F9A]  }
0x1a: {  	s8 =	sadd.s32 $0xFFFFE003, lr  }
0x1b: {  	s9 =	sadd.s32 $0xFFFFFEF7, lr;
	s5 =	simm.s32 $0xFFFFFFFF;
	p2 =	slt.u32 s8, $0xFFFFF086  }
0x1c: {  	p1 =	slt.u32 s9, $0xF7A;
	s5 =	simm.s32 @!p2 $0x0  }
0x1d: {  	s5 =	simm.s32 @p1 $0x1;
	p0 =	seq.s32 s7, s2  }
0x1e: {  	s7 =	smul.u32 @!p0 $0xF7A, s2;
	p2 =	seq.s32 @!p0 s5, $0x0  }
0x1f: {  	s9 =	smul.u32 $0xF7A, s1;
	s8 =	simm.s32 @!p0 $0x1BF5;
	p2 =	por !p2, p0  }
0x20: {  	[sflag:s8] =	ssyncset.s32 @!p0 $0xFFFFF086;
	s6 =	sadd.s32 @!p0 s3, s7;
	s7 =	simm.s32 @!p0 $0x108  }
0x21: {  	s3 =	sadd.s32 s3, s9;
	s6 =	sadd.s32 @!p0 $0x88, s6;
	s7 =	simm.s32 @p2 $0x1082  }
0x22: {  	[simem:s7], [sflag:s8] =	dma.local @!p0 [hbm:s6], $0xF7A  }
0x23: {  	s9 =	sor.u32 $0xD0000000, s2;
	s6 =	simm.s32 $0x108;
	_ =	swait.ge @!p0 [sflag:s8], $0x0  }
0x24: {  	s3 =	sadd.s32 $0x88, s3;
	s6 =	simm.s32 @!p1 $0x1082;
	[sflag:s4] =	ssyncset.s32 $0xFFFFF086  }
0x25: {  	[simem:s6], [sflag:s4] =	dma.local [hbm:s3], $0xF7A  }
0x26: {  	[smem:$0x3F9A] =	sst s1;
	(tag) =	ssettag s2;
	_ =	strace s9  }
0x27: {  	s1 =	sld [smem:$0x3FAA]  }
0x28: {  	s2 =	sld [smem:$0x3FAB]  }
0x29: {  	s4 =	sld [smem:$0x3FAD]  }
0x2a: {  	p0 =	seq.s32 s5, $0x0;
	s5 =	sld [smem:$0x3FAE]  }
0x2b: {  	s6 =	sld [smem:$0x3FAF]  }
0x2c: {  	s7 =	sld [smem:$0x3FB0]  }
0x2d: {  	s3 =	simm.s32 $0x108;
	s8 =	sld [smem:$0x3FB1]  }
0x2e: {  	s3 =	simm.s32 @!p0 $0x1082;
	s9 =	sld [smem:$0x3FB2]  }
0x2f: {  	lr =	sadd.s32 s0, s3;
	s0 =	sld [smem:$0x3FA9]  }
0x30: {  	s3 =	sld [smem:$0x3FAC]  }
0x31: {  	[smem:$0x3FB5] =	sst s10  }
0x32: {  	s10 =	sld [smem:$0x3FB3];
	_ =	sdelay $0x3  }
0x33: {  	p0 =	seq.s32 s10, $0x1;
	s10 =	sld [smem:$0x3FB5];
	_ =	sdelay $0x3  }
0x34: {  	[smem:$0x3FB5] =	sst s10  }
0x35: {  	s10 =	sld [smem:$0x3FB4];
	_ =	sdelay $0x3  }
0x36: {  	p1 =	seq.s32 s10, $0x1;
	s10 =	sld [smem:$0x3FB5];
	_ =	sdelay $0x3  }
0x37: {  	[smem:$0x3FB5] =	sst s10  }
0x38: {  	s10 =	sld [smem:$0x3FB6]  }
0x39: {  	_ = 	snop;
	(pc) =	sbr.ind lr, $3  }
0x3a: {  	_ = 	snop  }
0x3b: {  	_ = 	snop  }
0x3c: {  	p2 =	seq.s32 s10, $0x1;
	s10 =	sld [smem:$0x3FB5]  }
0x3d: {  	_ =	shalt  }
0x3e: {  	_ =	shalt  }
0x3f: {  	_ =	shalt  }
0x40: {  	_ =	shalt  }
0x41: {  	_ =	shalt  }
0x42: {  	_ =	shalt  }
0x43: {  	_ =	shalt  }
0x44: {  	_ =	shalt  }
0x45: {  	_ =	shalt  }
0x46: {  	_ =	shalt  }
0x47: {  	_ =	shalt  }
0x48: {  	_ =	shalt  }
0x49: {  	_ =	shalt  }
0x4a: {  	_ =	shalt  }
0x4b: {  	_ =	shalt  }
0x4c: {  	_ =	shalt  }
0x4d: {  	_ =	shalt  }
0x4e: {  	_ =	shalt  }
0x4f: {  	_ =	shalt  }
0x50: {  	_ =	shalt  }
0x51: {  	_ =	shalt  }
0x52: {  	_ =	shalt  }
0x53: {  	_ =	shalt  }
0x54: {  	_ =	shalt  }
0x55: {  	_ =	shalt  }
0x56: {  	_ =	shalt  }
0x57: {  	_ =	shalt  }
0x58: {  	_ =	shalt  }
0x59: {  	_ =	shalt  }
0x5a: {  	_ =	shalt  }
0x5b: {  	_ =	shalt  }
0x5c: {  	_ =	shalt  }
0x5d: {  	_ =	shalt  }
0x5e: {  	_ =	shalt  }
0x5f: {  	_ =	shalt  }
0x60: {  	_ =	shalt  }
0x61: {  	_ =	shalt  }
0x62: {  	_ =	shalt  }
0x63: {  	_ =	shalt  }
0x64: {  	_ =	shalt  }
0x65: {  	_ =	shalt  }
0x66: {  	_ =	shalt  }
0x67: {  	_ =	shalt  }
0x68: {  	_ =	shalt  }
0x69: {  	_ =	shalt  }
0x6a: {  	_ =	shalt  }
0x6b: {  	_ =	shalt  }
0x6c: {  	_ =	shalt  }
0x6d: {  	_ =	shalt  }
0x6e: {  	_ =	shalt  }
0x6f: {  	_ =	shalt  }
0x70: {  	_ =	shalt  }
0x71: {  	_ =	shalt  }
0x72: {  	_ =	shalt  }
0x73: {  	_ =	shalt  }
0x74: {  	_ =	shalt  }
0x75: {  	_ =	shalt  }
0x76: {  	_ =	shalt  }
0x77: {  	_ =	shalt  }
0x78: {  	_ =	shalt  }
0x79: {  	_ =	shalt  }
0x7a: {  	_ =	shalt  }
0x7b: {  	_ =	shalt  }
0x7c: {  	_ =	shalt  }
0x7d: {  	_ =	shalt  }
0x7e: {  	_ =	shalt  }
0x7f: {  	_ =	shalt  }
0x80: {  	_ =	shalt  }
0x81: {  	_ =	shalt  }
0x82: {  	_ =	shalt  }
0x83: {  	_ =	shalt  }
0x84: {  	_ =	shalt  }
0x85: {  	_ =	shalt  }
0x86: {  	_ =	shalt  }
0x87: {  	_ =	shalt  }
.Lfunc_end0:
.L_simem_size_0:
called_computation_lowered:
.L_overlay_start_0:
0x88: {  	s2 =	sld [smem:$0x3FD9]  }
0x89: {  	s3 =	sld [smem:$0x3FFE];
	_ =	sdelay $0x1  }
0x8a: {  	s1 =	srdreg.scid  }
0x8b: {  	s0 =	sand.u32 $0x1, s1  }
0x8c: {  	s17 =	sshll.u32 s0, $0xA;
	s2 =	sadd.s32 s3, s2  }
0x8d: {  	s2 =	sadd.s32 s2, s17  }
0x8e: {  	[smem:$0x3FC1] =	sst s2  }
0x8f: {  	_ = 	snop  }
0x90: {  	s2 =	sld [smem:$0x3FD0];
	(tm) =	ssettm $0x1  }
0x91: {  	s18 =	sld [smem:$0x3FFB];
	_ =	sdelay $0x3  }
0x92: {  	_ =	strace s18  }
0x93: {  	s3 =	sld [smem:$0x3FFC];
	_ =	sdelay $0x3  }
0x94: {  	_ =	strace s3  }
0x95: {  	s3 =	sld [smem:$0x3FFD];
	_ =	sdelay $0x3  }
0x96: {  	_ =	strace s3  }
0x97: {  	_ =	strace $0x8FFFFFFF  }
0x98: {  	s19 =	sld [smem:$0x3FDB];
	_ =	sdelay $0x1  }
0x99: {  	s4 =	simm.s32 $_scs_section_size  }
0x9a: {  	s5 =	simm.s32 $_size__tile_overlayer_lowered;
	s6 =	simm.s32 $_tile_overlayer_lowered  }
0x9b: {  	s22 =	simm.s32 $0x1BFF;
	s21 =	sshll.u32 s6, $0x1;
	s3 =	sadd.s32 s4, s19  }
0x9c: {  	s7 =	simm.s32 $0x0;
	s20 =	sshll.u32 s5, $0x1;
	s5 =	sadd.s32 s21, s3  }
0x9d: {  	[timem:s7], [sflag:s22] =	dma.local [hbm:s5], s20  }
0x9e: {  	_ =	swait.ge [sflag:s22], s20  }
0x9f: {  	s4 =	ssub.s32 $0x0, s20;
	[sflag:s22] =	ssyncset.done $0x0  }
0xa0: {  	[sflag:s22] =	ssyncadd.s32 s4;
	_ =	sdelay $0x1  }
0xa1: {  	s23 =	simm.s32 $0x1B8B  }
0xa2: {  	_ =	swait.ge [sflag:s23], $0x1  }
0xa3: {  	[sflag:s23] =	ssyncset.done $0x0  }
0xa4: {  	s25 =	simm.s32 $0x1B8E;
	s24 =	sld [smem:$0x3FFE];
	[sflag:s23] =	ssyncadd.s32 $0xFFFFFFFF  }
0xa5: {  	s26 =	simm.s32 $execute0_lowered;
	[smem:$0x3FD2] =	sst s25  }
0xa6: {  	s5 =	sshll.u32 s26, $0x1;
	_ =	strace $0x80000046;
	[dreg:$0x1] =	wrdreg $0xFFFFFFFF  }
0xa7: {  	s28 =	simm.s32 $_size_execute0_lowered;
	s3 =	sadd.s32 s3, s5;
	[dreg:$0x0] =	wrdreg $0x0  }
0xa8: {  	s5 =	sshll.u32 s28, $0x1;
	[dreg:$0x2] =	wrdreg s3  }
0xa9: {  	[dreg:$0x3] =	wrdreg s5  }
0xaa: {  	[dreg:$0x4] =	wrdreg $0xC0  }
0xab: {  	_ =	task [dreg:s7], $0x5FFFF  }
0xac: {  	[dreg:$0x1] =	wrdreg $0xFFFFFFFF  }
0xad: {  	[dreg:$0x0] =	wrdreg $0x60  }
0xae: {  	[dreg:$0x2] =	wrdreg s2  }
0xaf: {  	[dreg:$0x3] =	wrdreg s24  }
0xb0: {  	[dreg:$0x4] =	wrdreg $0x0  }
0xb1: {  	[dreg:$0x5] =	wrdreg $0x9  }
0xb2: {  	_ =	task.clear_ibuf [dreg:s7], $0x6FFFF;
	_ =	strace $0x90000046  }
0xb3: {  	s29 =	simm.s32 $0x9;
	_ =	strace $0x80000048  }
0xb4: {  	_ =	swait.ge [sflag:s29], $0x1  }
0xb5: {  	[sflag:s29] =	ssyncadd.s32 $0xFFFFFFFF  }
0xb6: {  	_ =	strace $0x90000048  }
0xb7: {  	_ =	sfence  }
0xb8: {  	s30 =	sld [smem:$0x0];
	_ =	sdelay $0x2  }
0xb9: {  	s31 =	sshll.u32 s1, $0xD;
	s1 =	sshrl.u32 s1, $0x2  }
0xba: {  	s3 =	sand.u32 $0x4000, s31;
	s1 =	sadd.s32 s1, s30  }
0xbb: {  	s0 =	sor.u32 s3, s0;
	s1 =	sshll.u32 s1, $0x11  }
0xbc: {  	s0 =	sor.u32 s1, s0  }
0xbd: {  	s0 =	sadd.s32 $0x8F2B, s0  }
0xbe: {  	[sflag:s0] =	ssyncadd.remote.s32 $0x1  }
0xbf: {  	_ =	sfence.sel $0xFFFF  }
0xc0: {  	[dreg:$0x0] =	wrdreg $0xFFFFFFFF;
	(pc) =	sbr.abs _section_cstart, $3  }
0xc1: {  	[dreg:$0x1] =	wrdreg $0xFFFFFFFF  }
0xc2: {  	_ =	task.clear_ibuf [dreg:s7], $0x2FFFF;
	_ =	strace $0x9FFFFFFF  }
0xc3: {  	(tm) =	ssettm $0x7FFFFFFF  }
tec
execute0_lowered:
.L_overlay_start_1:
0x0: {  	(tag) =	ssettag $0x1  }
0x1: {  	s0 =	srdreg.scid;
	s1 =	rddreg [dreg:$0x0]  }
0x2: {  	s23 =	stileid.u32;
	s5 =	rddreg [dreg:$0x1]  }
0x3: {  	s24 =	simm.s32 $0x0;
	s14 =	simm.s32 $0x40;
	s16 =	simm.s32 $0x16800  }
0x4: {  	s17 =	simm.s32 $0x16480;
	s18 =	simm.s32 $0x18800;
	s19 =	simm.s32 $0x16500  }
0x5: {  	s20 =	simm.s32 $0x1A800;
	s21 =	simm.s32 $0x16580;
	s22 =	simm.s32 $0x1C800  }
0x6: {  	s28 =	simm.s32 $0x16700;
	s29 =	simm.s32 $0x4;
	s30 =	simm.s32 $0x16780  }
0x7: {  	s31 =	simm.s32 $0x0;
	s2 =	sand.u32 $0x1, s0;
	s7 =	smul.u32 $0x2780, s23  }
0x8: {  	[smem:$0x7FF] =	sst s24;
	s9 =	smul.u32 $0x4F000, s23;
	s24 =	simm.s32 $0x1  }
0x9: {  	s3 =	sshll.u32 s2, $0x4;
	s8 =	ssub.s32 $0x2, s2;
	p0 =	seq.s32 s2, $0x1  }
0xa: {  	s2 =	simm.s32 $0x5A200;
	s4 =	sor.u32 s23, s3;
	s3 =	rddreg [dreg:$0x2]  }
0xb: {  	_ =	strace $0x80000047;
	s25 =	sshrl.u32 s8, $0x1;
	s11 =	sadd.s32 s7, s5  }
0xc: {  	s26 =	sshrl.u32 s9, $0x2;
	s2 =	simm.s32 @!p0 $0x32A00;
	s6 =	smul.u32 $0x500, s4  }
.Ltmp0:
0xd: {  	s12 =	ssub.s32 s8, s25;
	s13 =	sadd.s32 s26, s3;
	(pc) =	sbr.rel .LBB2_1-.Ltmp0, $4  }
0xe: {  	s25 =	simm.s32 $0x16600;
	s26 =	simm.s32 $0x3;
	s9 =	smax.u32 s12, $0x1  }
0xf: {  	s10 =	sadd.s32 s6, s5;
	s5 =	sadd.s32 $0xB200, s11;
	s6 =	sshll.u32 s23, $0x6  }
0x10: {  	s23 =	simm.s32 $0x5;
	s7 =	sor.u32 $0x1C05, s6;
	s8 =	sadd.s32 $0x1200, s10  }
0x11: {  	s10 =	sadd.s32 s2, s11;
	s11 =	sshrl.u32 s13, $0x3;
	s13 =	simm.s32 $0x6  }
.LBB2_4:
0x12: {  	_ =	swait.ge [sflag:s29], $0x2000  }
0x13: {  	[sflag:s29] =	ssyncset.done $0x0  }
0x14: {  	[sflag:s29] =	ssyncadd.s32 $0xFFFFE000  }
0x15: {  	[spmem:s3] =	stream.indirect.scatter.add.f32 [tilespmem:s22], [sflag:$0x6], $0x80, s30, s14, $0xb8;
	[tilespmem:$0x1E800] =	vst v63  }
0x16: {  	_ =	swait.ge [sflag:s13], $0x2000  }
0x17: {  	s31 =	sadd.s32 $0x1, s31;
	[sflag:s13] =	ssyncset.done $0x0  }
0x18: {  	p0 =	sne.s32 s31, s9;
	[sflag:s13] =	ssyncadd.s32 $0xFFFFE000  }
.Ltmp1:
0x19: {  	s0 =	sor.u32 $0x1C06, s6;
	[bflag:$0x0] =	sbarrier.arrive $0xFFFF;
	(pc) =	sbr.rel @!p0 .LBB2_5-.Ltmp1, $4  }
0x1a: {  	[hbm:s10], [sflag:s0] =	dma.local [spmem:s11], $0x2780  }
0x1b: {  	_ =	swait.ge [sflag:s13], $0x2780  }
0x1c: {  	[sflag:s13] =	ssyncset.done $0x0  }
0x1d: {  	[sflag:s13] =	ssyncadd.s32 $0xFFFFD880  }
.LBB2_1:
0x1e: {  	[spmem:s11], [sflag:s7] =	dma.local [hbm:s5], $0x2780  }
0x1f: {  	s0 =	simm.s32 $0x0;
	s2 =	simm.s32 $0x13C00  }
0x20: {  	[tilespmem:s2], [sflag:$0x6] =	stream.linear.gather [hbm4b:s8+s0], $0x2800, $0x38;
	[tilespmem:$0x1E800] =	vst v63  }
0x21: {  	_ =	swait.ge [sflag:s13], $0x2800  }
0x22: {  	[sflag:s13] =	ssyncset.done $0x0  }
0x23: {  	[sflag:s13] =	ssyncadd.s32 $0xFFFFD800  }
0x24: {  	v0 =	vld [tilespmem:$0x13C00];
	_ =	sdelay $0x1  }
0x25: {  	v1 =	vld [tilespmem:$0x13C10];
	_ =	sdelay $0x1  }
0x26: {  	v2 =	vld [tilespmem:$0x13C20]  }
0x27: {  	v3 =	vand.u32 $0xFFFF, v0  }
0x28: {  	v24 =	vld [tilespmem:$0x13C30];
	v0 =	vshra.s32 v0, $0x10;
	[tilespmem:$0x16400] =	vst v3  }
0x29: {  	v25 =	vand.u32 $0xFFFF, v1;
	[tilespmem:$0x16600] =	vst v0  }
0x2a: {  	v26 =	vshra.s32 v1, $0x10;
	[tilespmem:$0x16410] =	vst v25  }
0x2b: {  	v27 =	vand.u32 $0xFFFF, v2;
	[tilespmem:$0x16610] =	vst v26  }
0x2c: {  	v28 =	vshra.s32 v2, $0x10;
	[tilespmem:$0x16420] =	vst v27  }
0x2d: {  	v29 =	vand.u32 $0xFFFF, v24;
	[tilespmem:$0x16620] =	vst v28  }
0x2e: {  	v30 =	vshra.s32 v24, $0x10;
	[tilespmem:$0x16430] =	vst v29  }
0x2f: {  	s15 =	simm.s32 $0x16400;
	[tilespmem:$0x16630] =	vst v30  }
0x30: {  	[tilespmem:s16], [sflag:$0x1] =	stream.indirect.gather [hbm4b:s1+s14], $0x80, s15, s14, $0xb8;
	[tilespmem:$0x1E800] =	vst v63  }
0x31: {  	v31 =	vld [tilespmem:$0x13C40];
	_ =	sdelay $0x1  }
0x32: {  	v32 =	vld [tilespmem:$0x13C50];
	_ =	sdelay $0x1  }
0x33: {  	v33 =	vld [tilespmem:$0x13C60]  }
0x34: {  	v34 =	vand.u32 $0xFFFF, v31  }
0x35: {  	v35 =	vld [tilespmem:$0x13C70];
	v0 =	vshra.s32 v31, $0x10;
	[tilespmem:$0x16480] =	vst v34  }
0x36: {  	v36 =	vand.u32 $0xFFFF, v32;
	[tilespmem:$0x16680] =	vst v0  }
0x37: {  	v37 =	vshra.s32 v32, $0x10;
	[tilespmem:$0x16490] =	vst v36  }
0x38: {  	v38 =	vand.u32 $0xFFFF, v33;
	[tilespmem:$0x16690] =	vst v37  }
0x39: {  	v39 =	vshra.s32 v33, $0x10;
	[tilespmem:$0x164A0] =	vst v38  }
0x3a: {  	v40 =	vand.u32 $0xFFFF, v35;
	[tilespmem:$0x166A0] =	vst v39  }
0x3b: {  	v41 =	vshra.s32 v35, $0x10;
	[tilespmem:$0x164B0] =	vst v40  }
0x3c: {  	[tilespmem:$0x166B0] =	vst v41  }
0x3d: {  	[tilespmem:s18], [sflag:$0x2] =	stream.indirect.gather [hbm4b:s1+s14], $0x80, s17, s14, $0xb8;
	[tilespmem:$0x1E800] =	vst v63  }
0x3e: {  	v42 =	vld [tilespmem:$0x13C80];
	_ =	sdelay $0x1  }
0x3f: {  	v43 =	vld [tilespmem:$0x13C90];
	_ =	sdelay $0x1  }
0x40: {  	v44 =	vld [tilespmem:$0x13CA0]  }
0x41: {  	v45 =	vand.u32 $0xFFFF, v42  }
0x42: {  	v46 =	vld [tilespmem:$0x13CB0];
	v0 =	vshra.s32 v42, $0x10;
	[tilespmem:$0x16500] =	vst v45  }
0x43: {  	v47 =	vand.u32 $0xFFFF, v43;
	[tilespmem:$0x16700] =	vst v0  }
0x44: {  	v48 =	vshra.s32 v43, $0x10;
	[tilespmem:$0x16510] =	vst v47  }
0x45: {  	v49 =	vand.u32 $0xFFFF, v44;
	[tilespmem:$0x16710] =	vst v48  }
0x46: {  	v50 =	vshra.s32 v44, $0x10;
	[tilespmem:$0x16520] =	vst v49  }
0x47: {  	v51 =	vand.u32 $0xFFFF, v46;
	[tilespmem:$0x16720] =	vst v50  }
0x48: {  	v52 =	vshra.s32 v46, $0x10;
	[tilespmem:$0x16530] =	vst v51  }
0x49: {  	[tilespmem:$0x16730] =	vst v52  }
0x4a: {  	[tilespmem:s20], [sflag:$0x3] =	stream.indirect.gather [hbm4b:s1+s14], $0x80, s19, s14, $0xb8;
	[tilespmem:$0x1E800] =	vst v63  }
0x4b: {  	v53 =	vld [tilespmem:$0x13CC0];
	_ =	sdelay $0x1  }
0x4c: {  	v54 =	vld [tilespmem:$0x13CD0];
	_ =	sdelay $0x1  }
0x4d: {  	v55 =	vld [tilespmem:$0x13CE0]  }
0x4e: {  	v56 =	vand.u32 $0xFFFF, v53  }
0x4f: {  	v57 =	vld [tilespmem:$0x13CF0];
	v0 =	vshra.s32 v53, $0x10;
	[tilespmem:$0x16580] =	vst v56  }
0x50: {  	v58 =	vand.u32 $0xFFFF, v54;
	[tilespmem:$0x16780] =	vst v0  }
0x51: {  	v59 =	vshra.s32 v54, $0x10;
	[tilespmem:$0x16590] =	vst v58  }
0x52: {  	v60 =	vand.u32 $0xFFFF, v55;
	[tilespmem:$0x16790] =	vst v59  }
0x53: {  	v61 =	vshra.s32 v55, $0x10;
	[tilespmem:$0x165A0] =	vst v60  }
0x54: {  	v62 =	vand.u32 $0xFFFF, v57;
	[tilespmem:$0x167A0] =	vst v61  }
0x55: {  	v63 =	vshra.s32 v57, $0x10;
	[tilespmem:$0x165B0] =	vst v62  }
0x56: {  	[tilespmem:$0x167B0] =	vst v63  }
0x57: {  	[tilespmem:s22], [sflag:$0x4] =	stream.indirect.gather [hbm4b:s1+s14], $0x80, s21, s14, $0xb8;
	[tilespmem:$0x1E800] =	vst v63  }
0x58: {  	_ =	swait.ge [sflag:s23], $0x2780  }
0x59: {  	[sflag:s23] =	ssyncset.done $0x0  }
0x5a: {  	[sflag:s23] =	ssyncadd.s32 $0xFFFFD880  }
0x5b: {  	s2 =	simm.s32 $0x0;
	[bflag:$0x0] =	sbarrier.arrive $0xFFFF  }
.LBB2_2:
0x5c: {  	_ =	swait.ge [sflag:s24], $0x2000  }
0x5d: {  	[sflag:s24] =	ssyncset.done $0x0  }
0x5e: {  	[sflag:s24] =	ssyncadd.s32 $0xFFFFE000  }
0x5f: {  	[spmem:s3] =	stream.indirect.scatter.add.f32 [tilespmem:s16], [sflag:$0x6], $0x80, s25, s14, $0xb8;
	[tilespmem:$0x1E800] =	vst v63  }
0x60: {  	_ =	swait.ge [sflag:s13], $0x2000  }
0x61: {  	p0 =	seq.s32 s2, $0x9C00;
	[sflag:s13] =	ssyncset.done $0x0  }
0x62: {  	s0 =	simm.s32 @p0 $0x2;
	[sflag:s13] =	ssyncadd.s32 $0xFFFFE000  }
0x63: {  	_ =	swait.ge @p0 [sflag:s0], $0x2000  }
0x64: {  	s4 =	simm.s32 @p0 $0x16680;
	[sflag:s0] =	ssyncset.done @p0 $0x0  }
0x65: {  	s12 =	simm.s32 @p0 $0x18800;
	[sflag:s0] =	ssyncadd.s32 @p0 $0xFFFFE000;
	s0 =	simm.s32 @p0 $0x40  }
0x66: {  	[spmem:s3] =	stream.indirect.scatter.add.f32 @p0 [tilespmem:s12], [sflag:$0x6], $0x80, s4, s0, $0xb8;
	[tilespmem:$0x1E800] =	vst v63  }
0x67: {  	s0 =	simm.s32 @p0 $0x6  }
0x68: {  	_ =	swait.ge @p0 [sflag:s0], $0x2000  }
0x69: {  	[sflag:s0] =	ssyncset.done @p0 $0x0  }
0x6a: {  	[sflag:s0] =	ssyncadd.s32 @p0 $0xFFFFE000;
	s0 =	sshra.s32 @!p0 s2, $0x2  }
0x6b: {  	v0 =	vld @!p0 [tilespmem:s0+$0x13D00];
	_ =	sdelay $0x4  }
0x6c: {  	v1 =	vand.u32 @!p0 $0xFFFF, v0  }
0x6d: {  	v0 =	vshra.s32 @!p0 v0, $0x10;
	[tilespmem:$0x16400] =	vst @!p0 v1  }
0x6e: {  	[tilespmem:$0x16600] =	vst @!p0 v0  }
0x6f: {  	v0 =	vld @!p0 [tilespmem:s0+$0x13D10];
	_ =	sdelay $0x4  }
0x70: {  	v1 =	vand.u32 @!p0 $0xFFFF, v0  }
0x71: {  	v0 =	vshra.s32 @!p0 v0, $0x10;
	[tilespmem:$0x16410] =	vst @!p0 v1  }
0x72: {  	[tilespmem:$0x16610] =	vst @!p0 v0  }
0x73: {  	v0 =	vld @!p0 [tilespmem:s0+$0x13D20];
	_ =	sdelay $0x4  }
0x74: {  	v1 =	vand.u32 @!p0 $0xFFFF, v0  }
0x75: {  	v0 =	vshra.s32 @!p0 v0, $0x10;
	[tilespmem:$0x16420] =	vst @!p0 v1  }
0x76: {  	[tilespmem:$0x16620] =	vst @!p0 v0  }
0x77: {  	v0 =	vld @!p0 [tilespmem:s0+$0x13D30];
	_ =	sdelay $0x4  }
0x78: {  	v1 =	vand.u32 @!p0 $0xFFFF, v0  }
0x79: {  	v0 =	vshra.s32 @!p0 v0, $0x10;
	[tilespmem:$0x16430] =	vst @!p0 v1  }
0x7a: {  	s15 =	simm.s32 @!p0 $0x16800;
	s4 =	simm.s32 @!p0 $0x40;
	s12 =	simm.s32 @!p0 $0x16400;
	[tilespmem:$0x16630] =	vst @!p0 v0  }
0x7b: {  	[tilespmem:s15], [sflag:$0x1] =	stream.indirect.gather @!p0 [hbm4b:s1+s4], $0x80, s12, s4, $0xb8;
	[tilespmem:$0x1E800] =	vst v63  }
0x7c: {  	s12 =	simm.s32 @!p0 $0x2  }
0x7d: {  	_ =	swait.ge @!p0 [sflag:s12], $0x2000  }
0x7e: {  	[sflag:s12] =	ssyncset.done @!p0 $0x0  }
0x7f: {  	s15 =	simm.s32 @!p0 $0x18800;
	[sflag:s12] =	ssyncadd.s32 @!p0 $0xFFFFE000;
	s12 =	simm.s32 @!p0 $0x16680  }
0x80: {  	[spmem:s3] =	stream.indirect.scatter.add.f32 @!p0 [tilespmem:s15], [sflag:$0x6], $0x80, s12, s4, $0xb8;
	[tilespmem:$0x1E800] =	vst v63  }
0x81: {  	s12 =	simm.s32 @!p0 $0x6  }
0x82: {  	_ =	swait.ge @!p0 [sflag:s12], $0x2000  }
0x83: {  	[sflag:s12] =	ssyncset.done @!p0 $0x0  }
0x84: {  	[sflag:s12] =	ssyncadd.s32 @!p0 $0xFFFFE000  }
0x85: {  	v0 =	vld @!p0 [tilespmem:s0+$0x13D40];
	_ =	sdelay $0x4  }
0x86: {  	v1 =	vand.u32 @!p0 $0xFFFF, v0  }
0x87: {  	v0 =	vshra.s32 @!p0 v0, $0x10;
	[tilespmem:$0x16480] =	vst @!p0 v1  }
0x88: {  	[tilespmem:$0x16680] =	vst @!p0 v0  }
0x89: {  	v0 =	vld @!p0 [tilespmem:s0+$0x13D50];
	_ =	sdelay $0x4  }
0x8a: {  	v1 =	vand.u32 @!p0 $0xFFFF, v0  }
0x8b: {  	v0 =	vshra.s32 @!p0 v0, $0x10;
	[tilespmem:$0x16490] =	vst @!p0 v1  }
0x8c: {  	[tilespmem:$0x16690] =	vst @!p0 v0  }
0x8d: {  	v0 =	vld @!p0 [tilespmem:s0+$0x13D60];
	_ =	sdelay $0x4  }
0x8e: {  	v1 =	vand.u32 @!p0 $0xFFFF, v0  }
0x8f: {  	v0 =	vshra.s32 @!p0 v0, $0x10;
	[tilespmem:$0x164A0] =	vst @!p0 v1  }
0x90: {  	[tilespmem:$0x166A0] =	vst @!p0 v0  }
0x91: {  	v0 =	vld @!p0 [tilespmem:s0+$0x13D70];
	_ =	sdelay $0x4  }
0x92: {  	v1 =	vand.u32 @!p0 $0xFFFF, v0  }
0x93: {  	v0 =	vshra.s32 @!p0 v0, $0x10;
	[tilespmem:$0x164B0] =	vst @!p0 v1  }
0x94: {  	s0 =	simm.s32 @!p0 $0x16480;
	[tilespmem:$0x166B0] =	vst @!p0 v0  }
0x95: {  	[tilespmem:s15], [sflag:$0x2] =	stream.indirect.gather @!p0 [hbm4b:s1+s4], $0x80, s0, s4, $0xb8;
	[tilespmem:$0x1E800] =	vst v63  }
0x96: {  	_ =	swait.ge [sflag:s26], $0x2000  }
0x97: {  	[sflag:s26] =	ssyncset.done $0x0  }
.Ltmp2:
0x98: {  	[sflag:s26] =	ssyncadd.s32 $0xFFFFE000;
	(pc) =	sbr.rel @p0 .LBB2_4-.Ltmp2, $4  }
0x99: {  	[spmem:s3] =	stream.indirect.scatter.add.f32 [tilespmem:s20], [sflag:$0x6], $0x80, s28, s14, $0xb8;
	[tilespmem:$0x1E800] =	vst v63  }
0x9a: {  	_ =	swait.ge [sflag:s13], $0x2000  }
0x9b: {  	[sflag:s13] =	ssyncset.done $0x0  }
0x9c: {  	[sflag:s13] =	ssyncadd.s32 $0xFFFFE000  }
0x9d: {  	s0 =	sshra.s32 s2, $0x2  }
0x9e: {  	v0 =	vld [tilespmem:s0+$0x13D80];
	_ =	sdelay $0x4  }
0x9f: {  	v1 =	vand.u32 $0xFFFF, v0  }
0xa0: {  	v0 =	vshra.s32 v0, $0x10;
	[tilespmem:$0x16500] =	vst v1  }
0xa1: {  	[tilespmem:$0x16700] =	vst v0  }
0xa2: {  	v0 =	vld [tilespmem:s0+$0x13D90];
	_ =	sdelay $0x4  }
0xa3: {  	v56 =	vand.u32 $0xFFFF, v0  }
0xa4: {  	v0 =	vshra.s32 v0, $0x10;
	[tilespmem:$0x16510] =	vst v56  }
0xa5: {  	[tilespmem:$0x16710] =	vst v0  }
0xa6: {  	v0 =	vld [tilespmem:s0+$0x13DA0];
	_ =	sdelay $0x4  }
0xa7: {  	v57 =	vand.u32 $0xFFFF, v0  }
0xa8: {  	v0 =	vshra.s32 v0, $0x10;
	[tilespmem:$0x16520] =	vst v57  }
0xa9: {  	[tilespmem:$0x16720] =	vst v0  }
0xaa: {  	v0 =	vld [tilespmem:s0+$0x13DB0];
	_ =	sdelay $0x4  }
0xab: {  	v58 =	vand.u32 $0xFFFF, v0  }
0xac: {  	v0 =	vshra.s32 v0, $0x10;
	[tilespmem:$0x16530] =	vst v58  }
0xad: {  	[tilespmem:$0x16730] =	vst v0  }
0xae: {  	[tilespmem:s20], [sflag:$0x3] =	stream.indirect.gather [hbm4b:s1+s14], $0x80, s19, s14, $0xb8;
	[tilespmem:$0x1E800] =	vst v63  }
0xaf: {  	_ =	swait.ge [sflag:s29], $0x2000  }
0xb0: {  	[sflag:s29] =	ssyncset.done $0x0  }
0xb1: {  	[sflag:s29] =	ssyncadd.s32 $0xFFFFE000  }
0xb2: {  	[spmem:s3] =	stream.indirect.scatter.add.f32 [tilespmem:s22], [sflag:$0x6], $0x80, s30, s14, $0xb8;
	[tilespmem:$0x1E800] =	vst v63  }
0xb3: {  	_ =	swait.ge [sflag:s13], $0x2000  }
0xb4: {  	[sflag:s13] =	ssyncset.done $0x0  }
0xb5: {  	[sflag:s13] =	ssyncadd.s32 $0xFFFFE000  }
0xb6: {  	v59 =	vld [tilespmem:s0+$0x13DC0];
	_ =	sdelay $0x4  }
0xb7: {  	v60 =	vand.u32 $0xFFFF, v59  }
0xb8: {  	v0 =	vshra.s32 v59, $0x10;
	[tilespmem:$0x16580] =	vst v60  }
0xb9: {  	[tilespmem:$0x16780] =	vst v0  }
0xba: {  	v0 =	vld [tilespmem:s0+$0x13DD0];
	_ =	sdelay $0x4  }
0xbb: {  	v61 =	vand.u32 $0xFFFF, v0  }
0xbc: {  	v0 =	vshra.s32 v0, $0x10;
	[tilespmem:$0x16590] =	vst v61  }
0xbd: {  	[tilespmem:$0x16790] =	vst v0  }
0xbe: {  	v0 =	vld [tilespmem:s0+$0x13DE0];
	_ =	sdelay $0x4  }
0xbf: {  	v62 =	vand.u32 $0xFFFF, v0  }
0xc0: {  	v0 =	vshra.s32 v0, $0x10;
	[tilespmem:$0x165A0] =	vst v62  }
0xc1: {  	[tilespmem:$0x167A0] =	vst v0  }
0xc2: {  	v0 =	vld [tilespmem:s0+$0x13DF0];
	_ =	sdelay $0x3  }
.Ltmp3:
0xc3: {  	_ = 	snop;
	(pc) =	sbr.rel .LBB2_2-.Ltmp3, $4  }
0xc4: {  	v63 =	vand.u32 $0xFFFF, v0  }
0xc5: {  	v0 =	vshra.s32 v0, $0x10;
	[tilespmem:$0x165B0] =	vst v63  }
0xc6: {  	s2 =	sadd.s32 $0x400, s2;
	[tilespmem:$0x167B0] =	vst v0  }
0xc7: {  	[tilespmem:s22], [sflag:$0x4] =	stream.indirect.gather [hbm4b:s1+s14], $0x80, s21, s14, $0xb8;
	[tilespmem:$0x1E800] =	vst v63  }
.LBB2_5:
0xc8: {  	_ =	sfence.sel $0x180000  }
0xc9: {  	[bflag:$0x0] =	sbarrier.arrive $0xFFFF  }
0xca: {  	_ =	strace $0x90000047  }
0xcb: {  	s0 =	stileid.u32;
	[bflag:$0x2] =	sbarrier.arrive $0xFFFF  }
0xcc: {  	p0 =	sne.s32 s0, $0x0;
	s0 =	rddreg [dreg:$0x3]  }
0xcd: {  	s0 =	sadd.s32 @!p0 $0x100000, s0  }
0xce: {  	[sflag:s0] =	ssyncadd.tile.s32 @!p0 $0x1;
	_ =	shalt  }
.Lfunc_end2:
_tile_overlayer_lowered:
.L_overlay_start_2:
0xcf: {  	(tag) =	ssettag $0x2  }
0xd0: {  	s0 =	rddreg [dreg:$0x0];
	s2 =	stileid.u32  }
0xd1: {  	s1 =	rddreg [dreg:$0x1];
	p0 =	sne.s32 s2, $0x0  }
0xd2: {  	s3 =	rddreg [dreg:$0x2];
	[bflag:$0x3] =	sbarrier.arrive $0xFFFF;
	s2 =	simm.s32 @!p0 $0x1C06  }
0xd3: {  	[timem:s3], [sflag:s2] =	dma.local @!p0 [hbm:s0], s1  }
0xd4: {  	s0 =	simm.s32 @!p0 $0x6  }
0xd5: {  	_ =	swait.ge @!p0 [sflag:s0], s1  }
0xd6: {  	s1 =	ssub.s32 @!p0 $0x0, s1;
	[sflag:s0] =	ssyncset.done @!p0 $0x0  }
0xd7: {  	[sflag:s0] =	ssyncadd.s32 @!p0 s1  }
0xd8: {  	[bflag:$0x3] =	sbarrier.arrive $0xFFFF  }
0xd9: {  	_ =	shalt  }

</sc_bundles>
